<compile_context>
chip_gen: v7x
topology: tpu7x:2x2x1
jax: 0.10.2.dev20260603
libtpu: 0.0.44.dev20260713+nightly
codegen_flags: <defaults>
</compile_context>

<pallas_src>
import functools

import jax
import jax.numpy as jnp
from jax import lax
from jax.experimental import pallas as pl
from jax.experimental.pallas import tpu as pltpu
from jax.experimental.pallas import tpu_sc as plsc

NC = 2
NS = 16
L = 16
NW = NC * NS

B = 256
F = 4 * 64 * 64
N = B * F
NT = 1000
TROW = 8 * B
NG = B // L

F_TC = 14336
F_SC = F - F_TC
N_SC = F_SC * B
ELEMS_W = N_SC // NW
CHUNK = 4 * TROW
NCHUNK = ELEMS_W // CHUNK
BR = 1024


def _sc_body(x_hbm, ts_hbm, n_hbm, sa_hbm, so_hbm, out_hbm,
             sa_v, so_v, ts_v, xb0, xb1, nb0, nb1, ob0, ob1,
             in_sem0, in_sem1, out_sem0, out_sem1):
    c = lax.axis_index("c")
    s = lax.axis_index("s")
    wid = s * NC + c
    base = F_TC * B + wid * ELEMS_W

    xbufs = (xb0, xb1)
    nbufs = (nb0, nb1)
    obufs = (ob0, ob1)
    in_sems = (in_sem0, in_sem1)
    out_sems = (out_sem0, out_sem1)

    pltpu.sync_copy(sa_hbm, sa_v)
    pltpu.sync_copy(so_hbm, so_v)
    pltpu.sync_copy(ts_hbm, ts_v)

    sa_gs = []
    so_gs = []
    for g in range(NG):
        tv = ts_v[pl.ds(g * L, L)]
        sa_gs.append(plsc.load_gather(sa_v, [tv]))
        so_gs.append(plsc.load_gather(so_v, [tv]))

    pltpu.async_copy(x_hbm.at[pl.ds(base, CHUNK)], xbufs[0], in_sems[0])
    pltpu.async_copy(n_hbm.at[pl.ds(base, CHUNK)], nbufs[0], in_sems[0])

    for j in range(NCHUNK):
        slot = j % 2
        nxt = (j + 1) % 2
        off = base + j * CHUNK
        if j + 1 < NCHUNK:
            on = off + CHUNK
            pltpu.async_copy(x_hbm.at[pl.ds(on, CHUNK)], xbufs[nxt],
                             in_sems[nxt])
            pltpu.async_copy(n_hbm.at[pl.ds(on, CHUNK)], nbufs[nxt],
                             in_sems[nxt])

        pltpu.make_async_copy(x_hbm.at[pl.ds(off, CHUNK)], xbufs[slot],
                              in_sems[slot]).wait()
        pltpu.make_async_copy(n_hbm.at[pl.ds(off, CHUNK)], nbufs[slot],
                              in_sems[slot]).wait()
        if j >= 2:
            op = base + (j - 2) * CHUNK - F_TC * B
            pltpu.make_async_copy(obufs[slot], out_hbm.at[pl.ds(op, CHUNK)],
                                  out_sems[slot]).wait()

        xs = xbufs[slot]
        ns = nbufs[slot]
        os_ = obufs[slot]

        @plsc.parallel_loop(0, CHUNK // B, 1, unroll=2)
        def _(q):
            o_base = (q >> 3) * TROW + (q & 7) * 128
            for tcol in range(2):
                for g8 in range(8):
                    o = o_base + tcol * 1024 + g8 * L
                    g = tcol * 8 + g8
                    xv = xs[pl.ds(o, L)]
                    nv = ns[pl.ds(o, L)]
                    os_[pl.ds(o, L)] = sa_gs[g] * xv + so_gs[g] * nv

        pltpu.async_copy(obufs[slot],
                         out_hbm.at[pl.ds(off - F_TC * B, CHUNK)],
                         out_sems[slot])

    for j in (NCHUNK - 2, NCHUNK - 1):
        op = base + j * CHUNK - F_TC * B
        pltpu.make_async_copy(obufs[j % 2], out_hbm.at[pl.ds(op, CHUNK)],
                              out_sems[j % 2]).wait()


def _tc_body(ts_ref, tab_ref, x_ref, n_ref, out_ref, coef_ref):
    @pl.when(pl.program_id(0) == 0)
    def _():
        iota_v = lax.broadcasted_iota(jnp.int32, (1024, B), 0)
        onehot = iota_v == ts_ref[...]
        sa_col = tab_ref[:, 0:1]
        so_col = tab_ref[:, 1:2]
        zero = jnp.zeros((1024, B), jnp.float32)
        coef_ref[0:1, :] = jnp.sum(jnp.where(onehot, sa_col, zero), axis=0,
                                   keepdims=True)
        coef_ref[1:2, :] = jnp.sum(jnp.where(onehot, so_col, zero), axis=0,
                                   keepdims=True)

    sa_row = coef_ref[0:1, :]
    so_row = coef_ref[1:2, :]
    out_ref[...] = sa_row * x_ref[...] + so_row * n_ref[...]


@jax.jit
def kernel(x_start, timesteps, noise, sqrt_alpha_cumprod,
           sqrt_one_minus_alpha_cumprod):
    xt = x_start.reshape(B, F).T
    nt = noise.reshape(B, F).T

    def to_flat(t2d):
        return t2d.reshape(F // 8, 8, 2, 128).transpose(0, 2, 1, 3).reshape(N)

    xf = to_flat(xt)
    nf = to_flat(nt)
    ts2 = timesteps.reshape(1, B)
    tabT = jnp.pad(
        jnp.stack([sqrt_alpha_cumprod, sqrt_one_minus_alpha_cumprod], axis=1),
        ((0, 1024 - NT), (0, 0)))

    sc_k = functools.partial(
        pl.kernel,
        out_type=jax.ShapeDtypeStruct((N_SC,), jnp.float32),
        mesh=plsc.VectorSubcoreMesh(core_axis_name="c", subcore_axis_name="s"),
        compiler_params=pltpu.CompilerParams(needs_layout_passes=False),
        scratch_types=[
            pltpu.VMEM((1024,), jnp.float32),
            pltpu.VMEM((1024,), jnp.float32),
            pltpu.VMEM((B,), jnp.int32),
            pltpu.VMEM((CHUNK,), jnp.float32),
            pltpu.VMEM((CHUNK,), jnp.float32),
            pltpu.VMEM((CHUNK,), jnp.float32),
            pltpu.VMEM((CHUNK,), jnp.float32),
            pltpu.VMEM((CHUNK,), jnp.float32),
            pltpu.VMEM((CHUNK,), jnp.float32),
            pltpu.SemaphoreType.DMA,
            pltpu.SemaphoreType.DMA,
            pltpu.SemaphoreType.DMA,
            pltpu.SemaphoreType.DMA,
        ],
    )(_sc_body)
    sa_p = jnp.pad(sqrt_alpha_cumprod, (0, 1024 - NT))
    so_p = jnp.pad(sqrt_one_minus_alpha_cumprod, (0, 1024 - NT))
    sc_out = sc_k(xf, timesteps, nf, sa_p, so_p)

    tc_out = pl.pallas_call(
        _tc_body,
        grid=(F_TC // BR,),
        in_specs=[
            pl.BlockSpec((1, B), lambda i: (0, 0)),
            pl.BlockSpec((1024, 2), lambda i: (0, 0)),
            pl.BlockSpec((BR, B), lambda i: (i, 0)),
            pl.BlockSpec((BR, B), lambda i: (i, 0)),
        ],
        out_specs=pl.BlockSpec((BR, B), lambda i: (i, 0)),
        out_shape=jax.ShapeDtypeStruct((F, B), jnp.float32),
        scratch_shapes=[pltpu.VMEM((2, B), jnp.float32)],
        compiler_params=pltpu.CompilerParams(
            dimension_semantics=("arbitrary",),
        ),
    )(ts2, tabT, xt, nt)

    sc_rows = (sc_out.reshape(F_SC // 8, 2, 8, 128)
               .transpose(0, 2, 1, 3).reshape(F_SC, B))
    out_t = lax.dynamic_update_slice(tc_out, sc_rows, (F_TC, 0))
    return out_t.T.reshape(x_start.shape)

# --- scband reference (transcript-rebuilt; emitter-appended) ---
"""Pipeline reference for scband-ddpmscheduler-85452669321604 (READ-ONLY COPY).

The authoritative reference and input builder live on the scoring server;
editing this copy changes nothing except your own understanding.
"""

import jax, jax.numpy as jnp
import numpy as np

NUM_TRAIN_STEPS = 1000
BETA_START = 0.0001
BETA_END = 0.02


def _make_buffers():
    betas = jnp.linspace(BETA_START, BETA_END, NUM_TRAIN_STEPS, dtype=jnp.float32)
    alphas = 1.0 - betas
    alpha_cumprod = jnp.cumprod(alphas, axis=0)
    sqrt_alpha_cumprod = jnp.sqrt(alpha_cumprod)
    sqrt_one_minus_alpha_cumprod = jnp.sqrt(1.0 - alpha_cumprod)
    return sqrt_alpha_cumprod, sqrt_one_minus_alpha_cumprod


def setup_inputs(seed: int = 0) -> dict:
    key = jax.random.key(seed)
    k1, k2, k3 = jax.random.split(key, 3)
    x_start = jax.random.normal(k1, (256, 4, 64, 64), dtype=jnp.float32)
    noise = jax.random.normal(k2, (256, 4, 64, 64), dtype=jnp.float32)
    timesteps = jax.random.randint(k3, (256,), 0, NUM_TRAIN_STEPS, dtype=jnp.int32)
    sqrt_alpha_cumprod, sqrt_one_minus_alpha_cumprod = _make_buffers()
    return {
        "x_start": x_start,
        "timesteps": timesteps,
        "noise": noise,
        "sqrt_alpha_cumprod": sqrt_alpha_cumprod,
        "sqrt_one_minus_alpha_cumprod": sqrt_one_minus_alpha_cumprod,
    }


def reference(x_start, timesteps, noise, sqrt_alpha_cumprod, sqrt_one_minus_alpha_cumprod):
    # _extract: gather per-sample scalar coefficients from the schedule buffers
    n_extra = x_start.ndim - 1
    sa = jnp.take(sqrt_alpha_cumprod, timesteps, axis=0).reshape((timesteps.shape[0],) + (1,) * n_extra)
    so = jnp.take(sqrt_one_minus_alpha_cumprod, timesteps, axis=0).reshape((timesteps.shape[0],) + (1,) * n_extra)
    # q_sample: forward diffusion
    return sa * x_start + so * noise

if __name__ == "__main__":
    import jax
    _d = setup_inputs()
    print(jax.jit(kernel)(*tuple(_d.values())))

</pallas_src>

<mosaic_0001>
#map = affine_map<(d0, d1) -> (0)>
module attributes {stable_mosaic.version = 14 : i64} {
  func.func @_sc_body(%arg0: i32, %arg1: i32, %arg2: memref<4194304xf32, #tpu.memory_space<hbm>>, %arg3: memref<256xi32, #tpu.memory_space<hbm>>, %arg4: memref<4194304xf32, #tpu.memory_space<hbm>>, %arg5: memref<1024xf32, #tpu.memory_space<hbm>>, %arg6: memref<1024xf32, #tpu.memory_space<hbm>>, %arg7: memref<524288xf32, #tpu.memory_space<hbm>>, %arg8: memref<1024xf32, #tpu.memory_space<vmem>>, %arg9: memref<1024xf32, #tpu.memory_space<vmem>>, %arg10: memref<256xi32, #tpu.memory_space<vmem>>, %arg11: memref<8192xf32, #tpu.memory_space<vmem>>, %arg12: memref<8192xf32, #tpu.memory_space<vmem>>, %arg13: memref<8192xf32, #tpu.memory_space<vmem>>, %arg14: memref<8192xf32, #tpu.memory_space<vmem>>, %arg15: memref<8192xf32, #tpu.memory_space<vmem>>, %arg16: memref<8192xf32, #tpu.memory_space<vmem>>, %arg17: memref<!tpu.dma_semaphore, #tpu.memory_space<semaphore_mem>>, %arg18: memref<!tpu.dma_semaphore, #tpu.memory_space<semaphore_mem>>, %arg19: memref<!tpu.dma_semaphore, #tpu.memory_space<semaphore_mem>>, %arg20: memref<!tpu.dma_semaphore, #tpu.memory_space<semaphore_mem>>) attributes {dimension_semantics = [#tpu.dimension_semantics<core_parallel>, #tpu.dimension_semantics<subcore_parallel>], iteration_bounds = array<i64: 2, 16>, scalar_prefetch = 0 : i64, scratch_operands = 13 : i64, tpu.core_type = #tpu.core_type<sc_vector_subcore>, window_params = [{transform_indices = #map}, {transform_indices = #map}, {transform_indices = #map}, {transform_indices = #map}, {transform_indices = #map}, {transform_indices = #map}]} {
    %mul3A = arith.constant 2 : i32
    %mul3A_0 = arith.muli %arg1, %mul3A : i32
    %add3A = arith.addi %mul3A_0, %arg0 : i32
    %mul3A_1 = arith.constant 16384 : i32
    %mul3A_2 = arith.muli %add3A, %mul3A_1 : i32
    %add3A_3 = arith.constant 3670016 : i32
    %add3A_4 = arith.addi %add3A_3, %mul3A_2 : i32
    "tpu.region"() ({
      %run_scoped3A = tpu.sem_alloc : memref<!tpu.dma_semaphore, #tpu.memory_space<semaphore_mem>>
      tpu.enqueue_dma source(%arg5 : memref<1024xf32, #tpu.memory_space<hbm>>) target(%arg8 : memref<1024xf32, #tpu.memory_space<vmem>>) target_semaphore(%run_scoped3A : memref<!tpu.dma_semaphore, #tpu.memory_space<semaphore_mem>>)
      tpu.wait_dma2 semaphore(%run_scoped3A : memref<!tpu.dma_semaphore, #tpu.memory_space<semaphore_mem>>) src(%arg5 : memref<1024xf32, #tpu.memory_space<hbm>>) dst(%arg8 : memref<1024xf32, #tpu.memory_space<vmem>>)
      tpu.yield
    }) : () -> ()
    "tpu.region"() ({
      %run_scoped3A = tpu.sem_alloc : memref<!tpu.dma_semaphore, #tpu.memory_space<semaphore_mem>>
      tpu.enqueue_dma source(%arg6 : memref<1024xf32, #tpu.memory_space<hbm>>) target(%arg9 : memref<1024xf32, #tpu.memory_space<vmem>>) target_semaphore(%run_scoped3A : memref<!tpu.dma_semaphore, #tpu.memory_space<semaphore_mem>>)
      tpu.wait_dma2 semaphore(%run_scoped3A : memref<!tpu.dma_semaphore, #tpu.memory_space<semaphore_mem>>) src(%arg6 : memref<1024xf32, #tpu.memory_space<hbm>>) dst(%arg9 : memref<1024xf32, #tpu.memory_space<vmem>>)
      tpu.yield
    }) : () -> ()
    "tpu.region"() ({
      %run_scoped3A = tpu.sem_alloc : memref<!tpu.dma_semaphore, #tpu.memory_space<semaphore_mem>>
      tpu.enqueue_dma source(%arg3 : memref<256xi32, #tpu.memory_space<hbm>>) target(%arg10 : memref<256xi32, #tpu.memory_space<vmem>>) target_semaphore(%run_scoped3A : memref<!tpu.dma_semaphore, #tpu.memory_space<semaphore_mem>>)
      tpu.wait_dma2 semaphore(%run_scoped3A : memref<!tpu.dma_semaphore, #tpu.memory_space<semaphore_mem>>) src(%arg3 : memref<256xi32, #tpu.memory_space<hbm>>) dst(%arg10 : memref<256xi32, #tpu.memory_space<vmem>>)
      tpu.yield
    }) : () -> ()
    %get3A = arith.constant 0 : index
    %get3A_5 = tpu.vector_load %arg10[%get3A] {strides = array<i32>} : memref<256xi32, #tpu.memory_space<vmem>>, vector<16xi32>,
    %gather3A = tpu.vector_load_idx %arg8[%get3A_5] : memref<1024xf32, #tpu.memory_space<vmem>>[vector<16xi32>], vector<16xf32>,
    %gather3A_6 = tpu.vector_load_idx %arg9[%get3A_5] : memref<1024xf32, #tpu.memory_space<vmem>>[vector<16xi32>], vector<16xf32>,
    %get3A_7 = arith.constant 16 : index
    %get3A_8 = tpu.vector_load %arg10[%get3A_7] {strides = array<i32>} : memref<256xi32, #tpu.memory_space<vmem>>, vector<16xi32>,
    %gather3A_9 = tpu.vector_load_idx %arg8[%get3A_8] : memref<1024xf32, #tpu.memory_space<vmem>>[vector<16xi32>], vector<16xf32>,
    %gather3A_10 = tpu.vector_load_idx %arg9[%get3A_8] : memref<1024xf32, #tpu.memory_space<vmem>>[vector<16xi32>], vector<16xf32>,
    %get3A_11 = arith.constant 32 : index
    %get3A_12 = tpu.vector_load %arg10[%get3A_11] {strides = array<i32>} : memref<256xi32, #tpu.memory_space<vmem>>, vector<16xi32>,
    %gather3A_13 = tpu.vector_load_idx %arg8[%get3A_12] : memref<1024xf32, #tpu.memory_space<vmem>>[vector<16xi32>], vector<16xf32>,
    %gather3A_14 = tpu.vector_load_idx %arg9[%get3A_12] : memref<1024xf32, #tpu.memory_space<vmem>>[vector<16xi32>], vector<16xf32>,
    %get3A_15 = arith.constant 48 : index
    %get3A_16 = tpu.vector_load %arg10[%get3A_15] {strides = array<i32>} : memref<256xi32, #tpu.memory_space<vmem>>, vector<16xi32>,
    %gather3A_17 = tpu.vector_load_idx %arg8[%get3A_16] : memref<1024xf32, #tpu.memory_space<vmem>>[vector<16xi32>], vector<16xf32>,
    %gather3A_18 = tpu.vector_load_idx %arg9[%get3A_16] : memref<1024xf32, #tpu.memory_space<vmem>>[vector<16xi32>], vector<16xf32>,
    %get3A_19 = arith.constant 64 : index
    %get3A_20 = tpu.vector_load %arg10[%get3A_19] {strides = array<i32>} : memref<256xi32, #tpu.memory_space<vmem>>, vector<16xi32>,
    %gather3A_21 = tpu.vector_load_idx %arg8[%get3A_20] : memref<1024xf32, #tpu.memory_space<vmem>>[vector<16xi32>], vector<16xf32>,
    %gather3A_22 = tpu.vector_load_idx %arg9[%get3A_20] : memref<1024xf32, #tpu.memory_space<vmem>>[vector<16xi32>], vector<16xf32>,
    %get3A_23 = arith.constant 80 : index
    %get3A_24 = tpu.vector_load %arg10[%get3A_23] {strides = array<i32>} : memref<256xi32, #tpu.memory_space<vmem>>, vector<16xi32>,
    %gather3A_25 = tpu.vector_load_idx %arg8[%get3A_24] : memref<1024xf32, #tpu.memory_space<vmem>>[vector<16xi32>], vector<16xf32>,
    %gather3A_26 = tpu.vector_load_idx %arg9[%get3A_24] : memref<1024xf32, #tpu.memory_space<vmem>>[vector<16xi32>], vector<16xf32>,
    %get3A_27 = arith.constant 96 : index
    %get3A_28 = tpu.vector_load %arg10[%get3A_27] {strides = array<i32>} : memref<256xi32, #tpu.memory_space<vmem>>, vector<16xi32>,
    %gather3A_29 = tpu.vector_load_idx %arg8[%get3A_28] : memref<1024xf32, #tpu.memory_space<vmem>>[vector<16xi32>], vector<16xf32>,
    %gather3A_30 = tpu.vector_load_idx %arg9[%get3A_28] : memref<1024xf32, #tpu.memory_space<vmem>>[vector<16xi32>], vector<16xf32>,
    %get3A_31 = arith.constant 112 : index
    %get3A_32 = tpu.vector_load %arg10[%get3A_31] {strides = array<i32>} : memref<256xi32, #tpu.memory_space<vmem>>, vector<16xi32>,
    %gather3A_33 = tpu.vector_load_idx %arg8[%get3A_32] : memref<1024xf32, #tpu.memory_space<vmem>>[vector<16xi32>], vector<16xf32>,
    %gather3A_34 = tpu.vector_load_idx %arg9[%get3A_32] : memref<1024xf32, #tpu.memory_space<vmem>>[vector<16xi32>], vector<16xf32>,
    %get3A_35 = arith.constant 128 : index
    %get3A_36 = tpu.vector_load %arg10[%get3A_35] {strides = array<i32>} : memref<256xi32, #tpu.memory_space<vmem>>, vector<16xi32>,
    %gather3A_37 = tpu.vector_load_idx %arg8[%get3A_36] : memref<1024xf32, #tpu.memory_space<vmem>>[vector<16xi32>], vector<16xf32>,
    %gather3A_38 = tpu.vector_load_idx %arg9[%get3A_36] : memref<1024xf32, #tpu.memory_space<vmem>>[vector<16xi32>], vector<16xf32>,
    %get3A_39 = arith.constant 144 : index
    %get3A_40 = tpu.vector_load %arg10[%get3A_39] {strides = array<i32>} : memref<256xi32, #tpu.memory_space<vmem>>, vector<16xi32>,
    %gather3A_41 = tpu.vector_load_idx %arg8[%get3A_40] : memref<1024xf32, #tpu.memory_space<vmem>>[vector<16xi32>], vector<16xf32>,
    %gather3A_42 = tpu.vector_load_idx %arg9[%get3A_40] : memref<1024xf32, #tpu.memory_space<vmem>>[vector<16xi32>], vector<16xf32>,
    %get3A_43 = arith.constant 160 : index
    %get3A_44 = tpu.vector_load %arg10[%get3A_43] {strides = array<i32>} : memref<256xi32, #tpu.memory_space<vmem>>, vector<16xi32>,
    %gather3A_45 = tpu.vector_load_idx %arg8[%get3A_44] : memref<1024xf32, #tpu.memory_space<vmem>>[vector<16xi32>], vector<16xf32>,
    %gather3A_46 = tpu.vector_load_idx %arg9[%get3A_44] : memref<1024xf32, #tpu.memory_space<vmem>>[vector<16xi32>], vector<16xf32>,
    %get3A_47 = arith.constant 176 : index
    %get3A_48 = tpu.vector_load %arg10[%get3A_47] {strides = array<i32>} : memref<256xi32, #tpu.memory_space<vmem>>, vector<16xi32>,
    %gather3A_49 = tpu.vector_load_idx %arg8[%get3A_48] : memref<1024xf32, #tpu.memory_space<vmem>>[vector<16xi32>], vector<16xf32>,
    %gather3A_50 = tpu.vector_load_idx %arg9[%get3A_48] : memref<1024xf32, #tpu.memory_space<vmem>>[vector<16xi32>], vector<16xf32>,
    %get3A_51 = arith.constant 192 : index
    %get3A_52 = tpu.vector_load %arg10[%get3A_51] {strides = array<i32>} : memref<256xi32, #tpu.memory_space<vmem>>, vector<16xi32>,
    %gather3A_53 = tpu.vector_load_idx %arg8[%get3A_52] : memref<1024xf32, #tpu.memory_space<vmem>>[vector<16xi32>], vector<16xf32>,
    %gather3A_54 = tpu.vector_load_idx %arg9[%get3A_52] : memref<1024xf32, #tpu.memory_space<vmem>>[vector<16xi32>], vector<16xf32>,
    %get3A_55 = arith.constant 208 : index
    %get3A_56 = tpu.vector_load %arg10[%get3A_55] {strides = array<i32>} : memref<256xi32, #tpu.memory_space<vmem>>, vector<16xi32>,
    %gather3A_57 = tpu.vector_load_idx %arg8[%get3A_56] : memref<1024xf32, #tpu.memory_space<vmem>>[vector<16xi32>], vector<16xf32>,
    %gather3A_58 = tpu.vector_load_idx %arg9[%get3A_56] : memref<1024xf32, #tpu.memory_space<vmem>>[vector<16xi32>], vector<16xf32>,
    %get3A_59 = arith.constant 224 : index
    %get3A_60 = tpu.vector_load %arg10[%get3A_59] {strides = array<i32>} : memref<256xi32, #tpu.memory_space<vmem>>, vector<16xi32>,
    %gather3A_61 = tpu.vector_load_idx %arg8[%get3A_60] : memref<1024xf32, #tpu.memory_space<vmem>>[vector<16xi32>], vector<16xf32>,
    %gather3A_62 = tpu.vector_load_idx %arg9[%get3A_60] : memref<1024xf32, #tpu.memory_space<vmem>>[vector<16xi32>], vector<16xf32>,
    %get3A_63 = arith.constant 240 : index
    %get3A_64 = tpu.vector_load %arg10[%get3A_63] {strides = array<i32>} : memref<256xi32, #tpu.memory_space<vmem>>, vector<16xi32>,
    %gather3A_65 = tpu.vector_load_idx %arg8[%get3A_64] : memref<1024xf32, #tpu.memory_space<vmem>>[vector<16xi32>], vector<16xf32>,
    %gather3A_66 = tpu.vector_load_idx %arg9[%get3A_64] : memref<1024xf32, #tpu.memory_space<vmem>>[vector<16xi32>], vector<16xf32>,
    %dma_start3A = tpu.memref_slice %arg2[%add3A_4] : memref<4194304xf32, #tpu.memory_space<hbm>> -> memref<8192xf32, #tpu.memory_space<hbm>>
    %dma_start3A_67 = tpu.memref_slice %arg2[%add3A_4] : memref<4194304xf32, #tpu.memory_space<hbm>> -> memref<8192xf32, #tpu.memory_space<hbm>>
    tpu.enqueue_dma source(%dma_start3A_67 : memref<8192xf32, #tpu.memory_space<hbm>>) target(%arg11 : memref<8192xf32, #tpu.memory_space<vmem>>) target_semaphore(%arg17 : memref<!tpu.dma_semaphore, #tpu.memory_space<semaphore_mem>>)
    %dma_start3A_68 = tpu.memref_slice %arg4[%add3A_4] : memref<4194304xf32, #tpu.memory_space<hbm>> -> memref<8192xf32, #tpu.memory_space<hbm>>
    %dma_start3A_69 = tpu.memref_slice %arg4[%add3A_4] : memref<4194304xf32, #tpu.memory_space<hbm>> -> memref<8192xf32, #tpu.memory_space<hbm>>
    tpu.enqueue_dma source(%dma_start3A_69 : memref<8192xf32, #tpu.memory_space<hbm>>) target(%arg13 : memref<8192xf32, #tpu.memory_space<vmem>>) target_semaphore(%arg17 : memref<!tpu.dma_semaphore, #tpu.memory_space<semaphore_mem>>)
    %add3A_70 = arith.constant 0 : i32
    %add3A_71 = arith.addi %add3A_4, %add3A_70 : i32
    %add3A_72 = arith.constant 8192 : i32
    %add3A_73 = arith.addi %add3A_71, %add3A_72 : i32
    %dma_start3A_74 = tpu.memref_slice %arg2[%add3A_73] : memref<4194304xf32, #tpu.memory_space<hbm>> -> memref<8192xf32, #tpu.memory_space<hbm>>
    %dma_start3A_75 = tpu.memref_slice %arg2[%add3A_73] : memref<4194304xf32, #tpu.memory_space<hbm>> -> memref<8192xf32, #tpu.memory_space<hbm>>
    tpu.enqueue_dma source(%dma_start3A_75 : memref<8192xf32, #tpu.memory_space<hbm>>) target(%arg12 : memref<8192xf32, #tpu.memory_space<vmem>>) target_semaphore(%arg18 : memref<!tpu.dma_semaphore, #tpu.memory_space<semaphore_mem>>)
    %dma_start3A_76 = tpu.memref_slice %arg4[%add3A_73] : memref<4194304xf32, #tpu.memory_space<hbm>> -> memref<8192xf32, #tpu.memory_space<hbm>>
    %dma_start3A_77 = tpu.memref_slice %arg4[%add3A_73] : memref<4194304xf32, #tpu.memory_space<hbm>> -> memref<8192xf32, #tpu.memory_space<hbm>>
    tpu.enqueue_dma source(%dma_start3A_77 : memref<8192xf32, #tpu.memory_space<hbm>>) target(%arg14 : memref<8192xf32, #tpu.memory_space<vmem>>) target_semaphore(%arg18 : memref<!tpu.dma_semaphore, #tpu.memory_space<semaphore_mem>>)
    %dma_wait3A = tpu.memref_slice %arg2[%add3A_71] : memref<4194304xf32, #tpu.memory_space<hbm>> -> memref<8192xf32, #tpu.memory_space<hbm>>
    %dma_wait3A_78 = tpu.memref_slice %arg2[%add3A_71] : memref<4194304xf32, #tpu.memory_space<hbm>> -> memref<8192xf32, #tpu.memory_space<hbm>>
    tpu.wait_dma2 semaphore(%arg17 : memref<!tpu.dma_semaphore, #tpu.memory_space<semaphore_mem>>) src(%dma_wait3A_78 : memref<8192xf32, #tpu.memory_space<hbm>>) dst(%arg11 : memref<8192xf32, #tpu.memory_space<vmem>>)
    %dma_wait3A_79 = tpu.memref_slice %arg4[%add3A_71] : memref<4194304xf32, #tpu.memory_space<hbm>> -> memref<8192xf32, #tpu.memory_space<hbm>>
    %dma_wait3A_80 = tpu.memref_slice %arg4[%add3A_71] : memref<4194304xf32, #tpu.memory_space<hbm>> -> memref<8192xf32, #tpu.memory_space<hbm>>
    tpu.wait_dma2 semaphore(%arg17 : memref<!tpu.dma_semaphore, #tpu.memory_space<semaphore_mem>>) src(%dma_wait3A_80 : memref<8192xf32, #tpu.memory_space<hbm>>) dst(%arg13 : memref<8192xf32, #tpu.memory_space<vmem>>)
    %parallel_loop3A = arith.constant 0 : i32
    %parallel_loop3A_81 = arith.constant 32 : i32
    %parallel_loop3A_82 = arith.constant 1 : i32
    scf.for %parallel_loop3A_111 = %parallel_loop3A to %parallel_loop3A_81 step %parallel_loop3A_82  : i32 {
      %parallel_loop3A_112 = arith.constant 3 : i32
      %parallel_loop3A_113 = arith.shrsi %parallel_loop3A_111, %parallel_loop3A_112 : i32
      %parallel_loop3A_114 = arith.constant 2048 : i32
      %parallel_loop3A_115 = arith.muli %parallel_loop3A_113, %parallel_loop3A_114 : i32
      %parallel_loop3A_116 = arith.constant 7 : i32
      %parallel_loop3A_117 = arith.andi %parallel_loop3A_111, %parallel_loop3A_116 : i32
      %parallel_loop3A_118 = arith.constant 128 : i32
      %parallel_loop3A_119 = arith.muli %parallel_loop3A_117, %parallel_loop3A_118 : i32
      %parallel_loop3A_120 = arith.addi %parallel_loop3A_115, %parallel_loop3A_119 : i32
      %parallel_loop3A_121 = arith.constant 0 : i32
      %parallel_loop3A_122 = arith.addi %parallel_loop3A_120, %parallel_loop3A_121 : i32
      %parallel_loop3A_123 = arith.constant 0 : i32
      %parallel_loop3A_124 = arith.addi %parallel_loop3A_122, %parallel_loop3A_123 : i32
      %parallel_loop3A_125 = arith.index_cast %parallel_loop3A_124 : i32 to index
      %parallel_loop3A_126 = tpu.vector_load %arg11[%parallel_loop3A_125] {strides = array<i32>} : memref<8192xf32, #tpu.memory_space<vmem>>, vector<16xf32>,
      %parallel_loop3A_127 = arith.index_cast %parallel_loop3A_124 : i32 to index
      %parallel_loop3A_128 = tpu.vector_load %arg13[%parallel_loop3A_127] {strides = array<i32>} : memref<8192xf32, #tpu.memory_space<vmem>>, vector<16xf32>,
      %parallel_loop3A_129 = arith.mulf %gather3A, %parallel_loop3A_126 : vector<16xf32>
      %parallel_loop3A_130 = arith.mulf %gather3A_6, %parallel_loop3A_128 : vector<16xf32>
      %parallel_loop3A_131 = arith.addf %parallel_loop3A_129, %parallel_loop3A_130 : vector<16xf32>
      %parallel_loop3A_132 = arith.index_cast %parallel_loop3A_124 : i32 to index
      %parallel_loop3A_133 = tpu.vector_load %arg15[%parallel_loop3A_132] {strides = array<i32>} : memref<8192xf32, #tpu.memory_space<vmem>>, vector<16xf32>,
      tpu.vector_store %arg15[%parallel_loop3A_132], %parallel_loop3A_131 {strides = array<i32>} : memref<8192xf32, #tpu.memory_space<vmem>>, vector<16xf32>,
      %parallel_loop3A_134 = arith.constant 0 : i32
      %parallel_loop3A_135 = arith.addi %parallel_loop3A_120, %parallel_loop3A_134 : i32
      %parallel_loop3A_136 = arith.constant 16 : i32
      %parallel_loop3A_137 = arith.addi %parallel_loop3A_135, %parallel_loop3A_136 : i32
      %parallel_loop3A_138 = arith.index_cast %parallel_loop3A_137 : i32 to index
      %parallel_loop3A_139 = tpu.vector_load %arg11[%parallel_loop3A_138] {strides = array<i32>} : memref<8192xf32, #tpu.memory_space<vmem>>, vector<16xf32>,
      %parallel_loop3A_140 = arith.index_cast %parallel_loop3A_137 : i32 to index
      %parallel_loop3A_141 = tpu.vector_load %arg13[%parallel_loop3A_140] {strides = array<i32>} : memref<8192xf32, #tpu.memory_space<vmem>>, vector<16xf32>,
      %parallel_loop3A_142 = arith.mulf %gather3A_9, %parallel_loop3A_139 : vector<16xf32>
      %parallel_loop3A_143 = arith.mulf %gather3A_10, %parallel_loop3A_141 : vector<16xf32>
      %parallel_loop3A_144 = arith.addf %parallel_loop3A_142, %parallel_loop3A_143 : vector<16xf32>
      %parallel_loop3A_145 = arith.index_cast %parallel_loop3A_137 : i32 to index
      %parallel_loop3A_146 = tpu.vector_load %arg15[%parallel_loop3A_145] {strides = array<i32>} : memref<8192xf32, #tpu.memory_space<vmem>>, vector<16xf32>,
      tpu.vector_store %arg15[%parallel_loop3A_145], %parallel_loop3A_144 {strides = array<i32>} : memref<8192xf32, #tpu.memory_space<vmem>>, vector<16xf32>,
      %parallel_loop3A_147 = arith.constant 0 : i32
      %parallel_loop3A_148 = arith.addi %parallel_loop3A_120, %parallel_loop3A_147 : i32
      %parallel_loop3A_149 = arith.constant 32 : i32
      %parallel_loop3A_150 = arith.addi %parallel_loop3A_148, %parallel_loop3A_149 : i32
      %parallel_loop3A_151 = arith.index_cast %parallel_loop3A_150 : i32 to index
      %parallel_loop3A_152 = tpu.vector_load %arg11[%parallel_loop3A_151] {strides = array<i32>} : memref<8192xf32, #tpu.memory_space<vmem>>, vector<16xf32>,
      %parallel_loop3A_153 = arith.index_cast %parallel_loop3A_150 : i32 to index
      %parallel_loop3A_154 = tpu.vector_load %arg13[%parallel_loop3A_153] {strides = array<i32>} : memref<8192xf32, #tpu.memory_space<vmem>>, vector<16xf32>,
      %parallel_loop3A_155 = arith.mulf %gather3A_13, %parallel_loop3A_152 : vector<16xf32>
      %parallel_loop3A_156 = arith.mulf %gather3A_14, %parallel_loop3A_154 : vector<16xf32>
      %parallel_loop3A_157 = arith.addf %parallel_loop3A_155, %parallel_loop3A_156 : vector<16xf32>
      %parallel_loop3A_158 = arith.index_cast %parallel_loop3A_150 : i32 to index
      %parallel_loop3A_159 = tpu.vector_load %arg15[%parallel_loop3A_158] {strides = array<i32>} : memref<8192xf32, #tpu.memory_space<vmem>>, vector<16xf32>,
      tpu.vector_store %arg15[%parallel_loop3A_158], %parallel_loop3A_157 {strides = array<i32>} : memref<8192xf32, #tpu.memory_space<vmem>>, vector<16xf32>,
      %parallel_loop3A_160 = arith.constant 0 : i32
      %parallel_loop3A_161 = arith.addi %parallel_loop3A_120, %parallel_loop3A_160 : i32
      %parallel_loop3A_162 = arith.constant 48 : i32
      %parallel_loop3A_163 = arith.addi %parallel_loop3A_161, %parallel_loop3A_162 : i32
      %parallel_loop3A_164 = arith.index_cast %parallel_loop3A_163 : i32 to index
      %parallel_loop3A_165 = tpu.vector_load %arg11[%parallel_loop3A_164] {strides = array<i32>} : memref<8192xf32, #tpu.memory_space<vmem>>, vector<16xf32>,
      %parallel_loop3A_166 = arith.index_cast %parallel_loop3A_163 : i32 to index
      %parallel_loop3A_167 = tpu.vector_load %arg13[%parallel_loop3A_166] {strides = array<i32>} : memref<8192xf32, #tpu.memory_space<vmem>>, vector<16xf32>,
      %parallel_loop3A_168 = arith.mulf %gather3A_17, %parallel_loop3A_165 : vector<16xf32>
      %parallel_loop3A_169 = arith.mulf %gather3A_18, %parallel_loop3A_167 : vector<16xf32>
      %parallel_loop3A_170 = arith.addf %parallel_loop3A_168, %parallel_loop3A_169 : vector<16xf32>
      %parallel_loop3A_171 = arith.index_cast %parallel_loop3A_163 : i32 to index
      %parallel_loop3A_172 = tpu.vector_load %arg15[%parallel_loop3A_171] {strides = array<i32>} : memref<8192xf32, #tpu.memory_space<vmem>>, vector<16xf32>,
      tpu.vector_store %arg15[%parallel_loop3A_171], %parallel_loop3A_170 {strides = array<i32>} : memref<8192xf32, #tpu.memory_space<vmem>>, vector<16xf32>,
      %parallel_loop3A_173 = arith.constant 0 : i32
      %parallel_loop3A_174 = arith.addi %parallel_loop3A_120, %parallel_loop3A_173 : i32
      %parallel_loop3A_175 = arith.constant 64 : i32
      %parallel_loop3A_176 = arith.addi %parallel_loop3A_174, %parallel_loop3A_175 : i32
      %parallel_loop3A_177 = arith.index_cast %parallel_loop3A_176 : i32 to index
      %parallel_loop3A_178 = tpu.vector_load %arg11[%parallel_loop3A_177] {strides = array<i32>} : memref<8192xf32, #tpu.memory_space<vmem>>, vector<16xf32>,
      %parallel_loop3A_179 = arith.index_cast %parallel_loop3A_176 : i32 to index
      %parallel_loop3A_180 = tpu.vector_load %arg13[%parallel_loop3A_179] {strides = array<i32>} : memref<8192xf32, #tpu.memory_space<vmem>>, vector<16xf32>,
      %parallel_loop3A_181 = arith.mulf %gather3A_21, %parallel_loop3A_178 : vector<16xf32>
      %parallel_loop3A_182 = arith.mulf %gather3A_22, %parallel_loop3A_180 : vector<16xf32>
      %parallel_loop3A_183 = arith.addf %parallel_loop3A_181, %parallel_loop3A_182 : vector<16xf32>
      %parallel_loop3A_184 = arith.index_cast %parallel_loop3A_176 : i32 to index
      %parallel_loop3A_185 = tpu.vector_load %arg15[%parallel_loop3A_184] {strides = array<i32>} : memref<8192xf32, #tpu.memory_space<vmem>>, vector<16xf32>,
      tpu.vector_store %arg15[%parallel_loop3A_184], %parallel_loop3A_183 {strides = array<i32>} : memref<8192xf32, #tpu.memory_space<vmem>>, vector<16xf32>,
      %parallel_loop3A_186 = arith.constant 0 : i32
      %parallel_loop3A_187 = arith.addi %parallel_loop3A_120, %parallel_loop3A_186 : i32
      %parallel_loop3A_188 = arith.constant 80 : i32
      %parallel_loop3A_189 = arith.addi %parallel_loop3A_187, %parallel_loop3A_188 : i32
      %parallel_loop3A_190 = arith.index_cast %parallel_loop3A_189 : i32 to index
      %parallel_loop3A_191 = tpu.vector_load %arg11[%parallel_loop3A_190] {strides = array<i32>} : memref<8192xf32, #tpu.memory_space<vmem>>, vector<16xf32>,
      %parallel_loop3A_192 = arith.index_cast %parallel_loop3A_189 : i32 to index
      %parallel_loop3A_193 = tpu.vector_load %arg13[%parallel_loop3A_192] {strides = array<i32>} : memref<8192xf32, #tpu.memory_space<vmem>>, vector<16xf32>,
      %parallel_loop3A_194 = arith.mulf %gather3A_25, %parallel_loop3A_191 : vector<16xf32>
      %parallel_loop3A_195 = arith.mulf %gather3A_26, %parallel_loop3A_193 : vector<16xf32>
      %parallel_loop3A_196 = arith.addf %parallel_loop3A_194, %parallel_loop3A_195 : vector<16xf32>
      %parallel_loop3A_197 = arith.index_cast %parallel_loop3A_189 : i32 to index
      %parallel_loop3A_198 = tpu.vector_load %arg15[%parallel_loop3A_197] {strides = array<i32>} : memref<8192xf32, #tpu.memory_space<vmem>>, vector<16xf32>,
      tpu.vector_store %arg15[%parallel_loop3A_197], %parallel_loop3A_196 {strides = array<i32>} : memref<8192xf32, #tpu.memory_space<vmem>>, vector<16xf32>,
      %parallel_loop3A_199 = arith.constant 0 : i32
      %parallel_loop3A_200 = arith.addi %parallel_loop3A_120, %parallel_loop3A_199 : i32
      %parallel_loop3A_201 = arith.constant 96 : i32
      %parallel_loop3A_202 = arith.addi %parallel_loop3A_200, %parallel_loop3A_201 : i32
      %parallel_loop3A_203 = arith.index_cast %parallel_loop3A_202 : i32 to index
      %parallel_loop3A_204 = tpu.vector_load %arg11[%parallel_loop3A_203] {strides = array<i32>} : memref<8192xf32, #tpu.memory_space<vmem>>, vector<16xf32>,
      %parallel_loop3A_205 = arith.index_cast %parallel_loop3A_202 : i32 to index
      %parallel_loop3A_206 = tpu.vector_load %arg13[%parallel_loop3A_205] {strides = array<i32>} : memref<8192xf32, #tpu.memory_space<vmem>>, vector<16xf32>,
      %parallel_loop3A_207 = arith.mulf %gather3A_29, %parallel_loop3A_204 : vector<16xf32>
      %parallel_loop3A_208 = arith.mulf %gather3A_30, %parallel_loop3A_206 : vector<16xf32>
      %parallel_loop3A_209 = arith.addf %parallel_loop3A_207, %parallel_loop3A_208 : vector<16xf32>
      %parallel_loop3A_210 = arith.index_cast %parallel_loop3A_202 : i32 to index
      %parallel_loop3A_211 = tpu.vector_load %arg15[%parallel_loop3A_210] {strides = array<i32>} : memref<8192xf32, #tpu.memory_space<vmem>>, vector<16xf32>,
      tpu.vector_store %arg15[%parallel_loop3A_210], %parallel_loop3A_209 {strides = array<i32>} : memref<8192xf32, #tpu.memory_space<vmem>>, vector<16xf32>,
      %parallel_loop3A_212 = arith.constant 0 : i32
      %parallel_loop3A_213 = arith.addi %parallel_loop3A_120, %parallel_loop3A_212 : i32
      %parallel_loop3A_214 = arith.constant 112 : i32
      %parallel_loop3A_215 = arith.addi %parallel_loop3A_213, %parallel_loop3A_214 : i32
      %parallel_loop3A_216 = arith.index_cast %parallel_loop3A_215 : i32 to index
      %parallel_loop3A_217 = tpu.vector_load %arg11[%parallel_loop3A_216] {strides = array<i32>} : memref<8192xf32, #tpu.memory_space<vmem>>, vector<16xf32>,
      %parallel_loop3A_218 = arith.index_cast %parallel_loop3A_215 : i32 to index
      %parallel_loop3A_219 = tpu.vector_load %arg13[%parallel_loop3A_218] {strides = array<i32>} : memref<8192xf32, #tpu.memory_space<vmem>>, vector<16xf32>,
      %parallel_loop3A_220 = arith.mulf %gather3A_33, %parallel_loop3A_217 : vector<16xf32>
      %parallel_loop3A_221 = arith.mulf %gather3A_34, %parallel_loop3A_219 : vector<16xf32>
      %parallel_loop3A_222 = arith.addf %parallel_loop3A_220, %parallel_loop3A_221 : vector<16xf32>
      %parallel_loop3A_223 = arith.index_cast %parallel_loop3A_215 : i32 to index
      %parallel_loop3A_224 = tpu.vector_load %arg15[%parallel_loop3A_223] {strides = array<i32>} : memref<8192xf32, #tpu.memory_space<vmem>>, vector<16xf32>,
      tpu.vector_store %arg15[%parallel_loop3A_223], %parallel_loop3A_222 {strides = array<i32>} : memref<8192xf32, #tpu.memory_space<vmem>>, vector<16xf32>,
      %parallel_loop3A_225 = arith.constant 1024 : i32
      %parallel_loop3A_226 = arith.addi %parallel_loop3A_120, %parallel_loop3A_225 : i32
      %parallel_loop3A_227 = arith.constant 0 : i32
      %parallel_loop3A_228 = arith.addi %parallel_loop3A_226, %parallel_loop3A_227 : i32
      %parallel_loop3A_229 = arith.index_cast %parallel_loop3A_228 : i32 to index
      %parallel_loop3A_230 = tpu.vector_load %arg11[%parallel_loop3A_229] {strides = array<i32>} : memref<8192xf32, #tpu.memory_space<vmem>>, vector<16xf32>,
      %parallel_loop3A_231 = arith.index_cast %parallel_loop3A_228 : i32 to index
      %parallel_loop3A_232 = tpu.vector_load %arg13[%parallel_loop3A_231] {strides = array<i32>} : memref<8192xf32, #tpu.memory_space<vmem>>, vector<16xf32>,
      %parallel_loop3A_233 = arith.mulf %gather3A_37, %parallel_loop3A_230 : vector<16xf32>
      %parallel_loop3A_234 = arith.mulf %gather3A_38, %parallel_loop3A_232 : vector<16xf32>
      %parallel_loop3A_235 = arith.addf %parallel_loop3A_233, %parallel_loop3A_234 : vector<16xf32>
      %parallel_loop3A_236 = arith.index_cast %parallel_loop3A_228 : i32 to index
      %parallel_loop3A_237 = tpu.vector_load %arg15[%parallel_loop3A_236] {strides = array<i32>} : memref<8192xf32, #tpu.memory_space<vmem>>, vector<16xf32>,
      tpu.vector_store %arg15[%parallel_loop3A_236], %parallel_loop3A_235 {strides = array<i32>} : memref<8192xf32, #tpu.memory_space<vmem>>, vector<16xf32>,
      %parallel_loop3A_238 = arith.constant 1024 : i32
      %parallel_loop3A_239 = arith.addi %parallel_loop3A_120, %parallel_loop3A_238 : i32
      %parallel_loop3A_240 = arith.constant 16 : i32
      %parallel_loop3A_241 = arith.addi %parallel_loop3A_239, %parallel_loop3A_240 : i32
      %parallel_loop3A_242 = arith.index_cast %parallel_loop3A_241 : i32 to index
      %parallel_loop3A_243 = tpu.vector_load %arg11[%parallel_loop3A_242] {strides = array<i32>} : memref<8192xf32, #tpu.memory_space<vmem>>, vector<16xf32>,
      %parallel_loop3A_244 = arith.index_cast %parallel_loop3A_241 : i32 to index
      %parallel_loop3A_245 = tpu.vector_load %arg13[%parallel_loop3A_244] {strides = array<i32>} : memref<8192xf32, #tpu.memory_space<vmem>>, vector<16xf32>,
      %parallel_loop3A_246 = arith.mulf %gather3A_41, %parallel_loop3A_243 : vector<16xf32>
      %parallel_loop3A_247 = arith.mulf %gather3A_42, %parallel_loop3A_245 : vector<16xf32>
      %parallel_loop3A_248 = arith.addf %parallel_loop3A_246, %parallel_loop3A_247 : vector<16xf32>
      %parallel_loop3A_249 = arith.index_cast %parallel_loop3A_241 : i32 to index
      %parallel_loop3A_250 = tpu.vector_load %arg15[%parallel_loop3A_249] {strides = array<i32>} : memref<8192xf32, #tpu.memory_space<vmem>>, vector<16xf32>,
      tpu.vector_store %arg15[%parallel_loop3A_249], %parallel_loop3A_248 {strides = array<i32>} : memref<8192xf32, #tpu.memory_space<vmem>>, vector<16xf32>,
      %parallel_loop3A_251 = arith.constant 1024 : i32
      %parallel_loop3A_252 = arith.addi %parallel_loop3A_120, %parallel_loop3A_251 : i32
      %parallel_loop3A_253 = arith.constant 32 : i32
      %parallel_loop3A_254 = arith.addi %parallel_loop3A_252, %parallel_loop3A_253 : i32
      %parallel_loop3A_255 = arith.index_cast %parallel_loop3A_254 : i32 to index
      %parallel_loop3A_256 = tpu.vector_load %arg11[%parallel_loop3A_255] {strides = array<i32>} : memref<8192xf32, #tpu.memory_space<vmem>>, vector<16xf32>,
      %parallel_loop3A_257 = arith.index_cast %parallel_loop3A_254 : i32 to index
      %parallel_loop3A_258 = tpu.vector_load %arg13[%parallel_loop3A_257] {strides = array<i32>} : memref<8192xf32, #tpu.memory_space<vmem>>, vector<16xf32>,
      %parallel_loop3A_259 = arith.mulf %gather3A_45, %parallel_loop3A_256 : vector<16xf32>
      %parallel_loop3A_260 = arith.mulf %gather3A_46, %parallel_loop3A_258 : vector<16xf32>
      %parallel_loop3A_261 = arith.addf %parallel_loop3A_259, %parallel_loop3A_260 : vector<16xf32>
      %parallel_loop3A_262 = arith.index_cast %parallel_loop3A_254 : i32 to index
      %parallel_loop3A_263 = tpu.vector_load %arg15[%parallel_loop3A_262] {strides = array<i32>} : memref<8192xf32, #tpu.memory_space<vmem>>, vector<16xf32>,
      tpu.vector_store %arg15[%parallel_loop3A_262], %parallel_loop3A_261 {strides = array<i32>} : memref<8192xf32, #tpu.memory_space<vmem>>, vector<16xf32>,
      %parallel_loop3A_264 = arith.constant 1024 : i32
      %parallel_loop3A_265 = arith.addi %parallel_loop3A_120, %parallel_loop3A_264 : i32
      %parallel_loop3A_266 = arith.constant 48 : i32
      %parallel_loop3A_267 = arith.addi %parallel_loop3A_265, %parallel_loop3A_266 : i32
      %parallel_loop3A_268 = arith.index_cast %parallel_loop3A_267 : i32 to index
      %parallel_loop3A_269 = tpu.vector_load %arg11[%parallel_loop3A_268] {strides = array<i32>} : memref<8192xf32, #tpu.memory_space<vmem>>, vector<16xf32>,
      %parallel_loop3A_270 = arith.index_cast %parallel_loop3A_267 : i32 to index
      %parallel_loop3A_271 = tpu.vector_load %arg13[%parallel_loop3A_270] {strides = array<i32>} : memref<8192xf32, #tpu.memory_space<vmem>>, vector<16xf32>,
      %parallel_loop3A_272 = arith.mulf %gather3A_49, %parallel_loop3A_269 : vector<16xf32>
      %parallel_loop3A_273 = arith.mulf %gather3A_50, %parallel_loop3A_271 : vector<16xf32>
      %parallel_loop3A_274 = arith.addf %parallel_loop3A_272, %parallel_loop3A_273 : vector<16xf32>
      %parallel_loop3A_275 = arith.index_cast %parallel_loop3A_267 : i32 to index
      %parallel_loop3A_276 = tpu.vector_load %arg15[%parallel_loop3A_275] {strides = array<i32>} : memref<8192xf32, #tpu.memory_space<vmem>>, vector<16xf32>,
      tpu.vector_store %arg15[%parallel_loop3A_275], %parallel_loop3A_274 {strides = array<i32>} : memref<8192xf32, #tpu.memory_space<vmem>>, vector<16xf32>,
      %parallel_loop3A_277 = arith.constant 1024 : i32
      %parallel_loop3A_278 = arith.addi %parallel_loop3A_120, %parallel_loop3A_277 : i32
      %parallel_loop3A_279 = arith.constant 64 : i32
      %parallel_loop3A_280 = arith.addi %parallel_loop3A_278, %parallel_loop3A_279 : i32
      %parallel_loop3A_281 = arith.index_cast %parallel_loop3A_280 : i32 to index
      %parallel_loop3A_282 = tpu.vector_load %arg11[%parallel_loop3A_281] {strides = array<i32>} : memref<8192xf32, #tpu.memory_space<vmem>>, vector<16xf32>,
      %parallel_loop3A_283 = arith.index_cast %parallel_loop3A_280 : i32 to index
      %parallel_loop3A_284 = tpu.vector_load %arg13[%parallel_loop3A_283] {strides = array<i32>} : memref<8192xf32, #tpu.memory_space<vmem>>, vector<16xf32>,
      %parallel_loop3A_285 = arith.mulf %gather3A_53, %parallel_loop3A_282 : vector<16xf32>
      %parallel_loop3A_286 = arith.mulf %gather3A_54, %parallel_loop3A_284 : vector<16xf32>
      %parallel_loop3A_287 = arith.addf %parallel_loop3A_285, %parallel_loop3A_286 : vector<16xf32>
      %parallel_loop3A_288 = arith.index_cast %parallel_loop3A_280 : i32 to index
      %parallel_loop3A_289 = tpu.vector_load %arg15[%parallel_loop3A_288] {strides = array<i32>} : memref<8192xf32, #tpu.memory_space<vmem>>, vector<16xf32>,
      tpu.vector_store %arg15[%parallel_loop3A_288], %parallel_loop3A_287 {strides = array<i32>} : memref<8192xf32, #tpu.memory_space<vmem>>, vector<16xf32>,
      %parallel_loop3A_290 = arith.constant 1024 : i32
      %parallel_loop3A_291 = arith.addi %parallel_loop3A_120, %parallel_loop3A_290 : i32
      %parallel_loop3A_292 = arith.constant 80 : i32
      %parallel_loop3A_293 = arith.addi %parallel_loop3A_291, %parallel_loop3A_292 : i32
      %parallel_loop3A_294 = arith.index_cast %parallel_loop3A_293 : i32 to index
      %parallel_loop3A_295 = tpu.vector_load %arg11[%parallel_loop3A_294] {strides = array<i32>} : memref<8192xf32, #tpu.memory_space<vmem>>, vector<16xf32>,
      %parallel_loop3A_296 = arith.index_cast %parallel_loop3A_293 : i32 to index
      %parallel_loop3A_297 = tpu.vector_load %arg13[%parallel_loop3A_296] {strides = array<i32>} : memref<8192xf32, #tpu.memory_space<vmem>>, vector<16xf32>,
      %parallel_loop3A_298 = arith.mulf %gather3A_57, %parallel_loop3A_295 : vector<16xf32>
      %parallel_loop3A_299 = arith.mulf %gather3A_58, %parallel_loop3A_297 : vector<16xf32>
      %parallel_loop3A_300 = arith.addf %parallel_loop3A_298, %parallel_loop3A_299 : vector<16xf32>
      %parallel_loop3A_301 = arith.index_cast %parallel_loop3A_293 : i32 to index
      %parallel_loop3A_302 = tpu.vector_load %arg15[%parallel_loop3A_301] {strides = array<i32>} : memref<8192xf32, #tpu.memory_space<vmem>>, vector<16xf32>,
      tpu.vector_store %arg15[%parallel_loop3A_301], %parallel_loop3A_300 {strides = array<i32>} : memref<8192xf32, #tpu.memory_space<vmem>>, vector<16xf32>,
      %parallel_loop3A_303 = arith.constant 1024 : i32
      %parallel_loop3A_304 = arith.addi %parallel_loop3A_120, %parallel_loop3A_303 : i32
      %parallel_loop3A_305 = arith.constant 96 : i32
      %parallel_loop3A_306 = arith.addi %parallel_loop3A_304, %parallel_loop3A_305 : i32
      %parallel_loop3A_307 = arith.index_cast %parallel_loop3A_306 : i32 to index
      %parallel_loop3A_308 = tpu.vector_load %arg11[%parallel_loop3A_307] {strides = array<i32>} : memref<8192xf32, #tpu.memory_space<vmem>>, vector<16xf32>,
      %parallel_loop3A_309 = arith.index_cast %parallel_loop3A_306 : i32 to index
      %parallel_loop3A_310 = tpu.vector_load %arg13[%parallel_loop3A_309] {strides = array<i32>} : memref<8192xf32, #tpu.memory_space<vmem>>, vector<16xf32>,
      %parallel_loop3A_311 = arith.mulf %gather3A_61, %parallel_loop3A_308 : vector<16xf32>
      %parallel_loop3A_312 = arith.mulf %gather3A_62, %parallel_loop3A_310 : vector<16xf32>
      %parallel_loop3A_313 = arith.addf %parallel_loop3A_311, %parallel_loop3A_312 : vector<16xf32>
      %parallel_loop3A_314 = arith.index_cast %parallel_loop3A_306 : i32 to index
      %parallel_loop3A_315 = tpu.vector_load %arg15[%parallel_loop3A_314] {strides = array<i32>} : memref<8192xf32, #tpu.memory_space<vmem>>, vector<16xf32>,
      tpu.vector_store %arg15[%parallel_loop3A_314], %parallel_loop3A_313 {strides = array<i32>} : memref<8192xf32, #tpu.memory_space<vmem>>, vector<16xf32>,
      %parallel_loop3A_316 = arith.constant 1024 : i32
      %parallel_loop3A_317 = arith.addi %parallel_loop3A_120, %parallel_loop3A_316 : i32
      %parallel_loop3A_318 = arith.constant 112 : i32
      %parallel_loop3A_319 = arith.addi %parallel_loop3A_317, %parallel_loop3A_318 : i32
      %parallel_loop3A_320 = arith.index_cast %parallel_loop3A_319 : i32 to index
      %parallel_loop3A_321 = tpu.vector_load %arg11[%parallel_loop3A_320] {strides = array<i32>} : memref<8192xf32, #tpu.memory_space<vmem>>, vector<16xf32>,
      %parallel_loop3A_322 = arith.index_cast %parallel_loop3A_319 : i32 to index
      %parallel_loop3A_323 = tpu.vector_load %arg13[%parallel_loop3A_322] {strides = array<i32>} : memref<8192xf32, #tpu.memory_space<vmem>>, vector<16xf32>,
      %parallel_loop3A_324 = arith.mulf %gather3A_65, %parallel_loop3A_321 : vector<16xf32>
      %parallel_loop3A_325 = arith.mulf %gather3A_66, %parallel_loop3A_323 : vector<16xf32>
      %parallel_loop3A_326 = arith.addf %parallel_loop3A_324, %parallel_loop3A_325 : vector<16xf32>
      %parallel_loop3A_327 = arith.index_cast %parallel_loop3A_319 : i32 to index
      %parallel_loop3A_328 = tpu.vector_load %arg15[%parallel_loop3A_327] {strides = array<i32>} : memref<8192xf32, #tpu.memory_space<vmem>>, vector<16xf32>,
      tpu.vector_store %arg15[%parallel_loop3A_327], %parallel_loop3A_326 {strides = array<i32>} : memref<8192xf32, #tpu.memory_space<vmem>>, vector<16xf32>,
    } {sc.loop_unroll_factor = 2 : i64, sc.parallel_access}
    %sub3A = arith.constant 3670016 : i32
    %sub3A_83 = arith.subi %add3A_71, %sub3A : i32
    %dma_start3A_84 = tpu.memref_slice %arg7[%sub3A_83] : memref<524288xf32, #tpu.memory_space<hbm>> -> memref<8192xf32, #tpu.memory_space<hbm>>
    %dma_start3A_85 = tpu.memref_slice %arg7[%sub3A_83] : memref<524288xf32, #tpu.memory_space<hbm>> -> memref<8192xf32, #tpu.memory_space<hbm>>
    tpu.enqueue_dma source(%arg15 : memref<8192xf32, #tpu.memory_space<vmem>>) target(%dma_start3A_85 : memref<8192xf32, #tpu.memory_space<hbm>>) target_semaphore(%arg19 : memref<!tpu.dma_semaphore, #tpu.memory_space<semaphore_mem>>)
    %add3A_86 = arith.constant 8192 : i32
    %add3A_87 = arith.addi %add3A_4, %add3A_86 : i32
    %dma_wait3A_88 = tpu.memref_slice %arg2[%add3A_87] : memref<4194304xf32, #tpu.memory_space<hbm>> -> memref<8192xf32, #tpu.memory_space<hbm>>
    %dma_wait3A_89 = tpu.memref_slice %arg2[%add3A_87] : memref<4194304xf32, #tpu.memory_space<hbm>> -> memref<8192xf32, #tpu.memory_space<hbm>>
    tpu.wait_dma2 semaphore(%arg18 : memref<!tpu.dma_semaphore, #tpu.memory_space<semaphore_mem>>) src(%dma_wait3A_89 : memref<8192xf32, #tpu.memory_space<hbm>>) dst(%arg12 : memref<8192xf32, #tpu.memory_space<vmem>>)
    %dma_wait3A_90 = tpu.memref_slice %arg4[%add3A_87] : memref<4194304xf32, #tpu.memory_space<hbm>> -> memref<8192xf32, #tpu.memory_space<hbm>>
    %dma_wait3A_91 = tpu.memref_slice %arg4[%add3A_87] : memref<4194304xf32, #tpu.memory_space<hbm>> -> memref<8192xf32, #tpu.memory_space<hbm>>
    tpu.wait_dma2 semaphore(%arg18 : memref<!tpu.dma_semaphore, #tpu.memory_space<semaphore_mem>>) src(%dma_wait3A_91 : memref<8192xf32, #tpu.memory_space<hbm>>) dst(%arg14 : memref<8192xf32, #tpu.memory_space<vmem>>)
    %parallel_loop3A_92 = arith.constant 0 : i32
    %parallel_loop3A_93 = arith.constant 32 : i32
    %parallel_loop3A_94 = arith.constant 1 : i32
    scf.for %parallel_loop3A_111 = %parallel_loop3A_92 to %parallel_loop3A_93 step %parallel_loop3A_94  : i32 {
      %parallel_loop3A_112 = arith.constant 3 : i32
      %parallel_loop3A_113 = arith.shrsi %parallel_loop3A_111, %parallel_loop3A_112 : i32
      %parallel_loop3A_114 = arith.constant 2048 : i32
      %parallel_loop3A_115 = arith.muli %parallel_loop3A_113, %parallel_loop3A_114 : i32
      %parallel_loop3A_116 = arith.constant 7 : i32
      %parallel_loop3A_117 = arith.andi %parallel_loop3A_111, %parallel_loop3A_116 : i32
      %parallel_loop3A_118 = arith.constant 128 : i32
      %parallel_loop3A_119 = arith.muli %parallel_loop3A_117, %parallel_loop3A_118 : i32
      %parallel_loop3A_120 = arith.addi %parallel_loop3A_115, %parallel_loop3A_119 : i32
      %parallel_loop3A_121 = arith.constant 0 : i32
      %parallel_loop3A_122 = arith.addi %parallel_loop3A_120, %parallel_loop3A_121 : i32
      %parallel_loop3A_123 = arith.constant 0 : i32
      %parallel_loop3A_124 = arith.addi %parallel_loop3A_122, %parallel_loop3A_123 : i32
      %parallel_loop3A_125 = arith.index_cast %parallel_loop3A_124 : i32 to index
      %parallel_loop3A_126 = tpu.vector_load %arg12[%parallel_loop3A_125] {strides = array<i32>} : memref<8192xf32, #tpu.memory_space<vmem>>, vector<16xf32>,
      %parallel_loop3A_127 = arith.index_cast %parallel_loop3A_124 : i32 to index
      %parallel_loop3A_128 = tpu.vector_load %arg14[%parallel_loop3A_127] {strides = array<i32>} : memref<8192xf32, #tpu.memory_space<vmem>>, vector<16xf32>,
      %parallel_loop3A_129 = arith.mulf %gather3A, %parallel_loop3A_126 : vector<16xf32>
      %parallel_loop3A_130 = arith.mulf %gather3A_6, %parallel_loop3A_128 : vector<16xf32>
      %parallel_loop3A_131 = arith.addf %parallel_loop3A_129, %parallel_loop3A_130 : vector<16xf32>
      %parallel_loop3A_132 = arith.index_cast %parallel_loop3A_124 : i32 to index
      %parallel_loop3A_133 = tpu.vector_load %arg16[%parallel_loop3A_132] {strides = array<i32>} : memref<8192xf32, #tpu.memory_space<vmem>>, vector<16xf32>,
      tpu.vector_store %arg16[%parallel_loop3A_132], %parallel_loop3A_131 {strides = array<i32>} : memref<8192xf32, #tpu.memory_space<vmem>>, vector<16xf32>,
      %parallel_loop3A_134 = arith.constant 0 : i32
      %parallel_loop3A_135 = arith.addi %parallel_loop3A_120, %parallel_loop3A_134 : i32
      %parallel_loop3A_136 = arith.constant 16 : i32
      %parallel_loop3A_137 = arith.addi %parallel_loop3A_135, %parallel_loop3A_136 : i32
      %parallel_loop3A_138 = arith.index_cast %parallel_loop3A_137 : i32 to index
      %parallel_loop3A_139 = tpu.vector_load %arg12[%parallel_loop3A_138] {strides = array<i32>} : memref<8192xf32, #tpu.memory_space<vmem>>, vector<16xf32>,
      %parallel_loop3A_140 = arith.index_cast %parallel_loop3A_137 : i32 to index
      %parallel_loop3A_141 = tpu.vector_load %arg14[%parallel_loop3A_140] {strides = array<i32>} : memref<8192xf32, #tpu.memory_space<vmem>>, vector<16xf32>,
      %parallel_loop3A_142 = arith.mulf %gather3A_9, %parallel_loop3A_139 : vector<16xf32>
      %parallel_loop3A_143 = arith.mulf %gather3A_10, %parallel_loop3A_141 : vector<16xf32>
      %parallel_loop3A_144 = arith.addf %parallel_loop3A_142, %parallel_loop3A_143 : vector<16xf32>
      %parallel_loop3A_145 = arith.index_cast %parallel_loop3A_137 : i32 to index
      %parallel_loop3A_146 = tpu.vector_load %arg16[%parallel_loop3A_145] {strides = array<i32>} : memref<8192xf32, #tpu.memory_space<vmem>>, vector<16xf32>,
      tpu.vector_store %arg16[%parallel_loop3A_145], %parallel_loop3A_144 {strides = array<i32>} : memref<8192xf32, #tpu.memory_space<vmem>>, vector<16xf32>,
      %parallel_loop3A_147 = arith.constant 0 : i32
      %parallel_loop3A_148 = arith.addi %parallel_loop3A_120, %parallel_loop3A_147 : i32
      %parallel_loop3A_149 = arith.constant 32 : i32
      %parallel_loop3A_150 = arith.addi %parallel_loop3A_148, %parallel_loop3A_149 : i32
      %parallel_loop3A_151 = arith.index_cast %parallel_loop3A_150 : i32 to index
      %parallel_loop3A_152 = tpu.vector_load %arg12[%parallel_loop3A_151] {strides = array<i32>} : memref<8192xf32, #tpu.memory_space<vmem>>, vector<16xf32>,
      %parallel_loop3A_153 = arith.index_cast %parallel_loop3A_150 : i32 to index
      %parallel_loop3A_154 = tpu.vector_load %arg14[%parallel_loop3A_153] {strides = array<i32>} : memref<8192xf32, #tpu.memory_space<vmem>>, vector<16xf32>,
      %parallel_loop3A_155 = arith.mulf %gather3A_13, %parallel_loop3A_152 : vector<16xf32>
      %parallel_loop3A_156 = arith.mulf %gather3A_14, %parallel_loop3A_154 : vector<16xf32>
      %parallel_loop3A_157 = arith.addf %parallel_loop3A_155, %parallel_loop3A_156 : vector<16xf32>
      %parallel_loop3A_158 = arith.index_cast %parallel_loop3A_150 : i32 to index
      %parallel_loop3A_159 = tpu.vector_load %arg16[%parallel_loop3A_158] {strides = array<i32>} : memref<8192xf32, #tpu.memory_space<vmem>>, vector<16xf32>,
      tpu.vector_store %arg16[%parallel_loop3A_158], %parallel_loop3A_157 {strides = array<i32>} : memref<8192xf32, #tpu.memory_space<vmem>>, vector<16xf32>,
      %parallel_loop3A_160 = arith.constant 0 : i32
      %parallel_loop3A_161 = arith.addi %parallel_loop3A_120, %parallel_loop3A_160 : i32
      %parallel_loop3A_162 = arith.constant 48 : i32
      %parallel_loop3A_163 = arith.addi %parallel_loop3A_161, %parallel_loop3A_162 : i32
      %parallel_loop3A_164 = arith.index_cast %parallel_loop3A_163 : i32 to index
      %parallel_loop3A_165 = tpu.vector_load %arg12[%parallel_loop3A_164] {strides = array<i32>} : memref<8192xf32, #tpu.memory_space<vmem>>, vector<16xf32>,
      %parallel_loop3A_166 = arith.index_cast %parallel_loop3A_163 : i32 to index
      %parallel_loop3A_167 = tpu.vector_load %arg14[%parallel_loop3A_166] {strides = array<i32>} : memref<8192xf32, #tpu.memory_space<vmem>>, vector<16xf32>,
      %parallel_loop3A_168 = arith.mulf %gather3A_17, %parallel_loop3A_165 : vector<16xf32>
      %parallel_loop3A_169 = arith.mulf %gather3A_18, %parallel_loop3A_167 : vector<16xf32>
      %parallel_loop3A_170 = arith.addf %parallel_loop3A_168, %parallel_loop3A_169 : vector<16xf32>
      %parallel_loop3A_171 = arith.index_cast %parallel_loop3A_163 : i32 to index
      %parallel_loop3A_172 = tpu.vector_load %arg16[%parallel_loop3A_171] {strides = array<i32>} : memref<8192xf32, #tpu.memory_space<vmem>>, vector<16xf32>,
      tpu.vector_store %arg16[%parallel_loop3A_171], %parallel_loop3A_170 {strides = array<i32>} : memref<8192xf32, #tpu.memory_space<vmem>>, vector<16xf32>,
      %parallel_loop3A_173 = arith.constant 0 : i32
      %parallel_loop3A_174 = arith.addi %parallel_loop3A_120, %parallel_loop3A_173 : i32
      %parallel_loop3A_175 = arith.constant 64 : i32
      %parallel_loop3A_176 = arith.addi %parallel_loop3A_174, %parallel_loop3A_175 : i32
      %parallel_loop3A_177 = arith.index_cast %parallel_loop3A_176 : i32 to index
      %parallel_loop3A_178 = tpu.vector_load %arg12[%parallel_loop3A_177] {strides = array<i32>} : memref<8192xf32, #tpu.memory_space<vmem>>, vector<16xf32>,
      %parallel_loop3A_179 = arith.index_cast %parallel_loop3A_176 : i32 to index
      %parallel_loop3A_180 = tpu.vector_load %arg14[%parallel_loop3A_179] {strides = array<i32>} : memref<8192xf32, #tpu.memory_space<vmem>>, vector<16xf32>,
      %parallel_loop3A_181 = arith.mulf %gather3A_21, %parallel_loop3A_178 : vector<16xf32>
      %parallel_loop3A_182 = arith.mulf %gather3A_22, %parallel_loop3A_180 : vector<16xf32>
      %parallel_loop3A_183 = arith.addf %parallel_loop3A_181, %parallel_loop3A_182 : vector<16xf32>
      %parallel_loop3A_184 = arith.index_cast %parallel_loop3A_176 : i32 to index
      %parallel_loop3A_185 = tpu.vector_load %arg16[%parallel_loop3A_184] {strides = array<i32>} : memref<8192xf32, #tpu.memory_space<vmem>>, vector<16xf32>,
      tpu.vector_store %arg16[%parallel_loop3A_184], %parallel_loop3A_183 {strides = array<i32>} : memref<8192xf32, #tpu.memory_space<vmem>>, vector<16xf32>,
      %parallel_loop3A_186 = arith.constant 0 : i32
      %parallel_loop3A_187 = arith.addi %parallel_loop3A_120, %parallel_loop3A_186 : i32
      %parallel_loop3A_188 = arith.constant 80 : i32
      %parallel_loop3A_189 = arith.addi %parallel_loop3A_187, %parallel_loop3A_188 : i32
      %parallel_loop3A_190 = arith.index_cast %parallel_loop3A_189 : i32 to index
      %parallel_loop3A_191 = tpu.vector_load %arg12[%parallel_loop3A_190] {strides = array<i32>} : memref<8192xf32, #tpu.memory_space<vmem>>, vector<16xf32>,
      %parallel_loop3A_192 = arith.index_cast %parallel_loop3A_189 : i32 to index
      %parallel_loop3A_193 = tpu.vector_load %arg14[%parallel_loop3A_192] {strides = array<i32>} : memref<8192xf32, #tpu.memory_space<vmem>>, vector<16xf32>,
      %parallel_loop3A_194 = arith.mulf %gather3A_25, %parallel_loop3A_191 : vector<16xf32>
      %parallel_loop3A_195 = arith.mulf %gather3A_26, %parallel_loop3A_193 : vector<16xf32>
      %parallel_loop3A_196 = arith.addf %parallel_loop3A_194, %parallel_loop3A_195 : vector<16xf32>
      %parallel_loop3A_197 = arith.index_cast %parallel_loop3A_189 : i32 to index
      %parallel_loop3A_198 = tpu.vector_load %arg16[%parallel_loop3A_197] {strides = array<i32>} : memref<8192xf32, #tpu.memory_space<vmem>>, vector<16xf32>,
      tpu.vector_store %arg16[%parallel_loop3A_197], %parallel_loop3A_196 {strides = array<i32>} : memref<8192xf32, #tpu.memory_space<vmem>>, vector<16xf32>,
      %parallel_loop3A_199 = arith.constant 0 : i32
      %parallel_loop3A_200 = arith.addi %parallel_loop3A_120, %parallel_loop3A_199 : i32
      %parallel_loop3A_201 = arith.constant 96 : i32
      %parallel_loop3A_202 = arith.addi %parallel_loop3A_200, %parallel_loop3A_201 : i32
      %parallel_loop3A_203 = arith.index_cast %parallel_loop3A_202 : i32 to index
      %parallel_loop3A_204 = tpu.vector_load %arg12[%parallel_loop3A_203] {strides = array<i32>} : memref<8192xf32, #tpu.memory_space<vmem>>, vector<16xf32>,
      %parallel_loop3A_205 = arith.index_cast %parallel_loop3A_202 : i32 to index
      %parallel_loop3A_206 = tpu.vector_load %arg14[%parallel_loop3A_205] {strides = array<i32>} : memref<8192xf32, #tpu.memory_space<vmem>>, vector<16xf32>,
      %parallel_loop3A_207 = arith.mulf %gather3A_29, %parallel_loop3A_204 : vector<16xf32>
      %parallel_loop3A_208 = arith.mulf %gather3A_30, %parallel_loop3A_206 : vector<16xf32>
      %parallel_loop3A_209 = arith.addf %parallel_loop3A_207, %parallel_loop3A_208 : vector<16xf32>
      %parallel_loop3A_210 = arith.index_cast %parallel_loop3A_202 : i32 to index
      %parallel_loop3A_211 = tpu.vector_load %arg16[%parallel_loop3A_210] {strides = array<i32>} : memref<8192xf32, #tpu.memory_space<vmem>>, vector<16xf32>,
      tpu.vector_store %arg16[%parallel_loop3A_210], %parallel_loop3A_209 {strides = array<i32>} : memref<8192xf32, #tpu.memory_space<vmem>>, vector<16xf32>,
      %parallel_loop3A_212 = arith.constant 0 : i32
      %parallel_loop3A_213 = arith.addi %parallel_loop3A_120, %parallel_loop3A_212 : i32
      %parallel_loop3A_214 = arith.constant 112 : i32
      %parallel_loop3A_215 = arith.addi %parallel_loop3A_213, %parallel_loop3A_214 : i32
      %parallel_loop3A_216 = arith.index_cast %parallel_loop3A_215 : i32 to index
      %parallel_loop3A_217 = tpu.vector_load %arg12[%parallel_loop3A_216] {strides = array<i32>} : memref<8192xf32, #tpu.memory_space<vmem>>, vector<16xf32>,
      %parallel_loop3A_218 = arith.index_cast %parallel_loop3A_215 : i32 to index
      %parallel_loop3A_219 = tpu.vector_load %arg14[%parallel_loop3A_218] {strides = array<i32>} : memref<8192xf32, #tpu.memory_space<vmem>>, vector<16xf32>,
      %parallel_loop3A_220 = arith.mulf %gather3A_33, %parallel_loop3A_217 : vector<16xf32>
      %parallel_loop3A_221 = arith.mulf %gather3A_34, %parallel_loop3A_219 : vector<16xf32>
      %parallel_loop3A_222 = arith.addf %parallel_loop3A_220, %parallel_loop3A_221 : vector<16xf32>
      %parallel_loop3A_223 = arith.index_cast %parallel_loop3A_215 : i32 to index
      %parallel_loop3A_224 = tpu.vector_load %arg16[%parallel_loop3A_223] {strides = array<i32>} : memref<8192xf32, #tpu.memory_space<vmem>>, vector<16xf32>,
      tpu.vector_store %arg16[%parallel_loop3A_223], %parallel_loop3A_222 {strides = array<i32>} : memref<8192xf32, #tpu.memory_space<vmem>>, vector<16xf32>,
      %parallel_loop3A_225 = arith.constant 1024 : i32
      %parallel_loop3A_226 = arith.addi %parallel_loop3A_120, %parallel_loop3A_225 : i32
      %parallel_loop3A_227 = arith.constant 0 : i32
      %parallel_loop3A_228 = arith.addi %parallel_loop3A_226, %parallel_loop3A_227 : i32
      %parallel_loop3A_229 = arith.index_cast %parallel_loop3A_228 : i32 to index
      %parallel_loop3A_230 = tpu.vector_load %arg12[%parallel_loop3A_229] {strides = array<i32>} : memref<8192xf32, #tpu.memory_space<vmem>>, vector<16xf32>,
      %parallel_loop3A_231 = arith.index_cast %parallel_loop3A_228 : i32 to index
      %parallel_loop3A_232 = tpu.vector_load %arg14[%parallel_loop3A_231] {strides = array<i32>} : memref<8192xf32, #tpu.memory_space<vmem>>, vector<16xf32>,
      %parallel_loop3A_233 = arith.mulf %gather3A_37, %parallel_loop3A_230 : vector<16xf32>
      %parallel_loop3A_234 = arith.mulf %gather3A_38, %parallel_loop3A_232 : vector<16xf32>
      %parallel_loop3A_235 = arith.addf %parallel_loop3A_233, %parallel_loop3A_234 : vector<16xf32>
      %parallel_loop3A_236 = arith.index_cast %parallel_loop3A_228 : i32 to index
      %parallel_loop3A_237 = tpu.vector_load %arg16[%parallel_loop3A_236] {strides = array<i32>} : memref<8192xf32, #tpu.memory_space<vmem>>, vector<16xf32>,
      tpu.vector_store %arg16[%parallel_loop3A_236], %parallel_loop3A_235 {strides = array<i32>} : memref<8192xf32, #tpu.memory_space<vmem>>, vector<16xf32>,
      %parallel_loop3A_238 = arith.constant 1024 : i32
      %parallel_loop3A_239 = arith.addi %parallel_loop3A_120, %parallel_loop3A_238 : i32
      %parallel_loop3A_240 = arith.constant 16 : i32
      %parallel_loop3A_241 = arith.addi %parallel_loop3A_239, %parallel_loop3A_240 : i32
      %parallel_loop3A_242 = arith.index_cast %parallel_loop3A_241 : i32 to index
      %parallel_loop3A_243 = tpu.vector_load %arg12[%parallel_loop3A_242] {strides = array<i32>} : memref<8192xf32, #tpu.memory_space<vmem>>, vector<16xf32>,
      %parallel_loop3A_244 = arith.index_cast %parallel_loop3A_241 : i32 to index
      %parallel_loop3A_245 = tpu.vector_load %arg14[%parallel_loop3A_244] {strides = array<i32>} : memref<8192xf32, #tpu.memory_space<vmem>>, vector<16xf32>,
      %parallel_loop3A_246 = arith.mulf %gather3A_41, %parallel_loop3A_243 : vector<16xf32>
      %parallel_loop3A_247 = arith.mulf %gather3A_42, %parallel_loop3A_245 : vector<16xf32>
      %parallel_loop3A_248 = arith.addf %parallel_loop3A_246, %parallel_loop3A_247 : vector<16xf32>
      %parallel_loop3A_249 = arith.index_cast %parallel_loop3A_241 : i32 to index
      %parallel_loop3A_250 = tpu.vector_load %arg16[%parallel_loop3A_249] {strides = array<i32>} : memref<8192xf32, #tpu.memory_space<vmem>>, vector<16xf32>,
      tpu.vector_store %arg16[%parallel_loop3A_249], %parallel_loop3A_248 {strides = array<i32>} : memref<8192xf32, #tpu.memory_space<vmem>>, vector<16xf32>,
      %parallel_loop3A_251 = arith.constant 1024 : i32
      %parallel_loop3A_252 = arith.addi %parallel_loop3A_120, %parallel_loop3A_251 : i32
      %parallel_loop3A_253 = arith.constant 32 : i32
      %parallel_loop3A_254 = arith.addi %parallel_loop3A_252, %parallel_loop3A_253 : i32
      %parallel_loop3A_255 = arith.index_cast %parallel_loop3A_254 : i32 to index
      %parallel_loop3A_256 = tpu.vector_load %arg12[%parallel_loop3A_255] {strides = array<i32>} : memref<8192xf32, #tpu.memory_space<vmem>>, vector<16xf32>,
      %parallel_loop3A_257 = arith.index_cast %parallel_loop3A_254 : i32 to index
      %parallel_loop3A_258 = tpu.vector_load %arg14[%parallel_loop3A_257] {strides = array<i32>} : memref<8192xf32, #tpu.memory_space<vmem>>, vector<16xf32>,
      %parallel_loop3A_259 = arith.mulf %gather3A_45, %parallel_loop3A_256 : vector<16xf32>
      %parallel_loop3A_260 = arith.mulf %gather3A_46, %parallel_loop3A_258 : vector<16xf32>
      %parallel_loop3A_261 = arith.addf %parallel_loop3A_259, %parallel_loop3A_260 : vector<16xf32>
      %parallel_loop3A_262 = arith.index_cast %parallel_loop3A_254 : i32 to index
      %parallel_loop3A_263 = tpu.vector_load %arg16[%parallel_loop3A_262] {strides = array<i32>} : memref<8192xf32, #tpu.memory_space<vmem>>, vector<16xf32>,
      tpu.vector_store %arg16[%parallel_loop3A_262], %parallel_loop3A_261 {strides = array<i32>} : memref<8192xf32, #tpu.memory_space<vmem>>, vector<16xf32>,
      %parallel_loop3A_264 = arith.constant 1024 : i32
      %parallel_loop3A_265 = arith.addi %parallel_loop3A_120, %parallel_loop3A_264 : i32
      %parallel_loop3A_266 = arith.constant 48 : i32
      %parallel_loop3A_267 = arith.addi %parallel_loop3A_265, %parallel_loop3A_266 : i32
      %parallel_loop3A_268 = arith.index_cast %parallel_loop3A_267 : i32 to index
      %parallel_loop3A_269 = tpu.vector_load %arg12[%parallel_loop3A_268] {strides = array<i32>} : memref<8192xf32, #tpu.memory_space<vmem>>, vector<16xf32>,
      %parallel_loop3A_270 = arith.index_cast %parallel_loop3A_267 : i32 to index
      %parallel_loop3A_271 = tpu.vector_load %arg14[%parallel_loop3A_270] {strides = array<i32>} : memref<8192xf32, #tpu.memory_space<vmem>>, vector<16xf32>,
      %parallel_loop3A_272 = arith.mulf %gather3A_49, %parallel_loop3A_269 : vector<16xf32>
      %parallel_loop3A_273 = arith.mulf %gather3A_50, %parallel_loop3A_271 : vector<16xf32>
      %parallel_loop3A_274 = arith.addf %parallel_loop3A_272, %parallel_loop3A_273 : vector<16xf32>
      %parallel_loop3A_275 = arith.index_cast %parallel_loop3A_267 : i32 to index
      %parallel_loop3A_276 = tpu.vector_load %arg16[%parallel_loop3A_275] {strides = array<i32>} : memref<8192xf32, #tpu.memory_space<vmem>>, vector<16xf32>,
      tpu.vector_store %arg16[%parallel_loop3A_275], %parallel_loop3A_274 {strides = array<i32>} : memref<8192xf32, #tpu.memory_space<vmem>>, vector<16xf32>,
      %parallel_loop3A_277 = arith.constant 1024 : i32
      %parallel_loop3A_278 = arith.addi %parallel_loop3A_120, %parallel_loop3A_277 : i32
      %parallel_loop3A_279 = arith.constant 64 : i32
      %parallel_loop3A_280 = arith.addi %parallel_loop3A_278, %parallel_loop3A_279 : i32
      %parallel_loop3A_281 = arith.index_cast %parallel_loop3A_280 : i32 to index
      %parallel_loop3A_282 = tpu.vector_load %arg12[%parallel_loop3A_281] {strides = array<i32>} : memref<8192xf32, #tpu.memory_space<vmem>>, vector<16xf32>,
      %parallel_loop3A_283 = arith.index_cast %parallel_loop3A_280 : i32 to index
      %parallel_loop3A_284 = tpu.vector_load %arg14[%parallel_loop3A_283] {strides = array<i32>} : memref<8192xf32, #tpu.memory_space<vmem>>, vector<16xf32>,
      %parallel_loop3A_285 = arith.mulf %gather3A_53, %parallel_loop3A_282 : vector<16xf32>
      %parallel_loop3A_286 = arith.mulf %gather3A_54, %parallel_loop3A_284 : vector<16xf32>
      %parallel_loop3A_287 = arith.addf %parallel_loop3A_285, %parallel_loop3A_286 : vector<16xf32>
      %parallel_loop3A_288 = arith.index_cast %parallel_loop3A_280 : i32 to index
      %parallel_loop3A_289 = tpu.vector_load %arg16[%parallel_loop3A_288] {strides = array<i32>} : memref<8192xf32, #tpu.memory_space<vmem>>, vector<16xf32>,
      tpu.vector_store %arg16[%parallel_loop3A_288], %parallel_loop3A_287 {strides = array<i32>} : memref<8192xf32, #tpu.memory_space<vmem>>, vector<16xf32>,
      %parallel_loop3A_290 = arith.constant 1024 : i32
      %parallel_loop3A_291 = arith.addi %parallel_loop3A_120, %parallel_loop3A_290 : i32
      %parallel_loop3A_292 = arith.constant 80 : i32
      %parallel_loop3A_293 = arith.addi %parallel_loop3A_291, %parallel_loop3A_292 : i32
      %parallel_loop3A_294 = arith.index_cast %parallel_loop3A_293 : i32 to index
      %parallel_loop3A_295 = tpu.vector_load %arg12[%parallel_loop3A_294] {strides = array<i32>} : memref<8192xf32, #tpu.memory_space<vmem>>, vector<16xf32>,
      %parallel_loop3A_296 = arith.index_cast %parallel_loop3A_293 : i32 to index
      %parallel_loop3A_297 = tpu.vector_load %arg14[%parallel_loop3A_296] {strides = array<i32>} : memref<8192xf32, #tpu.memory_space<vmem>>, vector<16xf32>,
      %parallel_loop3A_298 = arith.mulf %gather3A_57, %parallel_loop3A_295 : vector<16xf32>
      %parallel_loop3A_299 = arith.mulf %gather3A_58, %parallel_loop3A_297 : vector<16xf32>
      %parallel_loop3A_300 = arith.addf %parallel_loop3A_298, %parallel_loop3A_299 : vector<16xf32>
      %parallel_loop3A_301 = arith.index_cast %parallel_loop3A_293 : i32 to index
      %parallel_loop3A_302 = tpu.vector_load %arg16[%parallel_loop3A_301] {strides = array<i32>} : memref<8192xf32, #tpu.memory_space<vmem>>, vector<16xf32>,
      tpu.vector_store %arg16[%parallel_loop3A_301], %parallel_loop3A_300 {strides = array<i32>} : memref<8192xf32, #tpu.memory_space<vmem>>, vector<16xf32>,
      %parallel_loop3A_303 = arith.constant 1024 : i32
      %parallel_loop3A_304 = arith.addi %parallel_loop3A_120, %parallel_loop3A_303 : i32
      %parallel_loop3A_305 = arith.constant 96 : i32
      %parallel_loop3A_306 = arith.addi %parallel_loop3A_304, %parallel_loop3A_305 : i32
      %parallel_loop3A_307 = arith.index_cast %parallel_loop3A_306 : i32 to index
      %parallel_loop3A_308 = tpu.vector_load %arg12[%parallel_loop3A_307] {strides = array<i32>} : memref<8192xf32, #tpu.memory_space<vmem>>, vector<16xf32>,
      %parallel_loop3A_309 = arith.index_cast %parallel_loop3A_306 : i32 to index
      %parallel_loop3A_310 = tpu.vector_load %arg14[%parallel_loop3A_309] {strides = array<i32>} : memref<8192xf32, #tpu.memory_space<vmem>>, vector<16xf32>,
      %parallel_loop3A_311 = arith.mulf %gather3A_61, %parallel_loop3A_308 : vector<16xf32>
      %parallel_loop3A_312 = arith.mulf %gather3A_62, %parallel_loop3A_310 : vector<16xf32>
      %parallel_loop3A_313 = arith.addf %parallel_loop3A_311, %parallel_loop3A_312 : vector<16xf32>
      %parallel_loop3A_314 = arith.index_cast %parallel_loop3A_306 : i32 to index
      %parallel_loop3A_315 = tpu.vector_load %arg16[%parallel_loop3A_314] {strides = array<i32>} : memref<8192xf32, #tpu.memory_space<vmem>>, vector<16xf32>,
      tpu.vector_store %arg16[%parallel_loop3A_314], %parallel_loop3A_313 {strides = array<i32>} : memref<8192xf32, #tpu.memory_space<vmem>>, vector<16xf32>,
      %parallel_loop3A_316 = arith.constant 1024 : i32
      %parallel_loop3A_317 = arith.addi %parallel_loop3A_120, %parallel_loop3A_316 : i32
      %parallel_loop3A_318 = arith.constant 112 : i32
      %parallel_loop3A_319 = arith.addi %parallel_loop3A_317, %parallel_loop3A_318 : i32
      %parallel_loop3A_320 = arith.index_cast %parallel_loop3A_319 : i32 to index
      %parallel_loop3A_321 = tpu.vector_load %arg12[%parallel_loop3A_320] {strides = array<i32>} : memref<8192xf32, #tpu.memory_space<vmem>>, vector<16xf32>,
      %parallel_loop3A_322 = arith.index_cast %parallel_loop3A_319 : i32 to index
      %parallel_loop3A_323 = tpu.vector_load %arg14[%parallel_loop3A_322] {strides = array<i32>} : memref<8192xf32, #tpu.memory_space<vmem>>, vector<16xf32>,
      %parallel_loop3A_324 = arith.mulf %gather3A_65, %parallel_loop3A_321 : vector<16xf32>
      %parallel_loop3A_325 = arith.mulf %gather3A_66, %parallel_loop3A_323 : vector<16xf32>
      %parallel_loop3A_326 = arith.addf %parallel_loop3A_324, %parallel_loop3A_325 : vector<16xf32>
      %parallel_loop3A_327 = arith.index_cast %parallel_loop3A_319 : i32 to index
      %parallel_loop3A_328 = tpu.vector_load %arg16[%parallel_loop3A_327] {strides = array<i32>} : memref<8192xf32, #tpu.memory_space<vmem>>, vector<16xf32>,
      tpu.vector_store %arg16[%parallel_loop3A_327], %parallel_loop3A_326 {strides = array<i32>} : memref<8192xf32, #tpu.memory_space<vmem>>, vector<16xf32>,
    } {sc.loop_unroll_factor = 2 : i64, sc.parallel_access}
    %sub3A_95 = arith.constant 3670016 : i32
    %sub3A_96 = arith.subi %add3A_87, %sub3A_95 : i32
    %dma_start3A_97 = tpu.memref_slice %arg7[%sub3A_96] : memref<524288xf32, #tpu.memory_space<hbm>> -> memref<8192xf32, #tpu.memory_space<hbm>>
    %dma_start3A_98 = tpu.memref_slice %arg7[%sub3A_96] : memref<524288xf32, #tpu.memory_space<hbm>> -> memref<8192xf32, #tpu.memory_space<hbm>>
    tpu.enqueue_dma source(%arg16 : memref<8192xf32, #tpu.memory_space<vmem>>) target(%dma_start3A_98 : memref<8192xf32, #tpu.memory_space<hbm>>) target_semaphore(%arg20 : memref<!tpu.dma_semaphore, #tpu.memory_space<semaphore_mem>>)
    %add3A_99 = arith.constant 0 : i32
    %add3A_100 = arith.addi %add3A_4, %add3A_99 : i32
    %sub3A_101 = arith.constant 3670016 : i32
    %sub3A_102 = arith.subi %add3A_100, %sub3A_101 : i32
    %dma_wait3A_103 = tpu.memref_slice %arg7[%sub3A_102] : memref<524288xf32, #tpu.memory_space<hbm>> -> memref<8192xf32, #tpu.memory_space<hbm>>
    %dma_wait3A_104 = tpu.memref_slice %arg7[%sub3A_102] : memref<524288xf32, #tpu.memory_space<hbm>> -> memref<8192xf32, #tpu.memory_space<hbm>>
    tpu.wait_dma2 semaphore(%arg19 : memref<!tpu.dma_semaphore, #tpu.memory_space<semaphore_mem>>) src(%arg15 : memref<8192xf32, #tpu.memory_space<vmem>>) dst(%dma_wait3A_104 : memref<8192xf32, #tpu.memory_space<hbm>>)
    %add3A_105 = arith.constant 8192 : i32
    %add3A_106 = arith.addi %add3A_4, %add3A_105 : i32
    %sub3A_107 = arith.constant 3670016 : i32
    %sub3A_108 = arith.subi %add3A_106, %sub3A_107 : i32
    %dma_wait3A_109 = tpu.memref_slice %arg7[%sub3A_108] : memref<524288xf32, #tpu.memory_space<hbm>> -> memref<8192xf32, #tpu.memory_space<hbm>>
    %dma_wait3A_110 = tpu.memref_slice %arg7[%sub3A_108] : memref<524288xf32, #tpu.memory_space<hbm>> -> memref<8192xf32, #tpu.memory_space<hbm>>
    tpu.wait_dma2 semaphore(%arg20 : memref<!tpu.dma_semaphore, #tpu.memory_space<semaphore_mem>>) src(%arg16 : memref<8192xf32, #tpu.memory_space<vmem>>) dst(%dma_wait3A_110 : memref<8192xf32, #tpu.memory_space<hbm>>)
    return
  }
}

module attributes {stable_mosaic.version = 14 : i64} {
  func.func @_tc_body(%arg0: i32, %arg1: memref<1x256xi32, #tpu.memory_space<vmem>>, %arg2: memref<1024x2xf32, #tpu.memory_space<vmem>>, %arg3: memref<1024x256xf32, #tpu.memory_space<vmem>>, %arg4: memref<1024x256xf32, #tpu.memory_space<vmem>>, %arg5: memref<1024x256xf32, #tpu.memory_space<vmem>>, %arg6: memref<2x256xf32, #tpu.memory_space<vmem>>) attributes {dimension_semantics = [#tpu.dimension_semantics<arbitrary>], iteration_bounds = array<i64: 14>, scalar_prefetch = 0 : i64, scratch_operands = 1 : i64, tpu.core_type = #tpu.core_type<tc>, window_params = [{pipeline_mode = #tpu.pipeline_mode<synchronous>, transform_indices = @transform_0, window_bounds = array<i64: 1, 256>}, {pipeline_mode = #tpu.pipeline_mode<synchronous>, transform_indices = @transform_1, window_bounds = array<i64: 1024, 2>}, {transform_indices = @transform_2, window_bounds = array<i64: 1024, 256>}, {transform_indices = @transform_3, window_bounds = array<i64: 1024, 256>}, {transform_indices = @transform_4, window_bounds = array<i64: 1024, 256>}]} {
    %eq3A = arith.constant 0 : i32
    %eq3A_0 = arith.cmpi eq, %arg0, %eq3A : i32
    %convert_element_type3A = arith.extui %eq3A_0 : i1 to i32
    %cond3A = arith.constant 0 : i32
    %cond3A_1 = arith.cmpi ne, %convert_element_type3A, %cond3A : i32
    scf.if %cond3A_1 {
      %iota3A = tpu.iota {dimensions = array<i32: 0>} : vector<1024x256xi32>
      %get3A_18 = arith.constant 0 : index
      %get3A_19 = arith.constant 0 : index
      %get3A_20 = vector.load %arg1[%get3A_18, %get3A_19] : memref<1x256xi32, #tpu.memory_space<vmem>>, vector<1x256xi32>
      %eq3A_21 = vector.broadcast %get3A_20 : vector<1x256xi32> to vector<1024x256xi32>
      %eq3A_22 = arith.cmpi eq, %iota3A, %eq3A_21 : vector<1024x256xi32>
      %get3A_23 = arith.constant 0 : index
      %get3A_24 = arith.constant 0 : index
      %get3A_25 = vector.load %arg2[%get3A_23, %get3A_24] : memref<1024x2xf32, #tpu.memory_space<vmem>>, vector<1024x1xf32>
      %get3A_26 = arith.constant 0 : index
      %get3A_27 = arith.constant 1 : index
      %get3A_28 = vector.load %arg2[%get3A_26, %get3A_27] : memref<1024x2xf32, #tpu.memory_space<vmem>>, vector<1024x1xf32>
      %broadcast_in_dim3A = arith.constant 0.000000e+00 : f32
      %broadcast_in_dim3A_29 = vector.broadcast %broadcast_in_dim3A : f32 to vector<1024x256xf32>
      %broadcast_in_dim3A_30 = vector.shape_cast %get3A_25 : vector<1024x1xf32> to vector<1024x1xf32>
      %broadcast_in_dim3A_31 = vector.broadcast %broadcast_in_dim3A_30 : vector<1024x1xf32> to vector<1024x256xf32>
      %select_n3A = arith.select %eq3A_22, %broadcast_in_dim3A_31, %broadcast_in_dim3A_29 : vector<1024x256xi1>, vector<1024x256xf32>
      %reduce_sum3A = arith.constant dense<0.000000e+00> : vector<256xf32>
      %reduce_sum3A_32 = vector.multi_reduction <add>, %select_n3A, %reduce_sum3A [0] : vector<1024x256xf32> to vector<256xf32>
      %broadcast_in_dim3A_33 = vector.shape_cast %reduce_sum3A_32 : vector<256xf32> to vector<1x256xf32>
      %swap3A_34 = arith.constant 0 : index
      %swap3A_35 = arith.constant 0 : index
      %swap3A_36 = vector.load %arg6[%swap3A_34, %swap3A_35] : memref<2x256xf32, #tpu.memory_space<vmem>>, vector<1x256xf32>
      tpu.vector_store %arg6[%swap3A_34, %swap3A_35], %broadcast_in_dim3A_33 {strides = array<i32>} : memref<2x256xf32, #tpu.memory_space<vmem>>, vector<1x256xf32>,
      %broadcast_in_dim3A_37 = vector.shape_cast %get3A_28 : vector<1024x1xf32> to vector<1024x1xf32>
      %broadcast_in_dim3A_38 = vector.broadcast %broadcast_in_dim3A_37 : vector<1024x1xf32> to vector<1024x256xf32>
      %select_n3A_39 = arith.select %eq3A_22, %broadcast_in_dim3A_38, %broadcast_in_dim3A_29 : vector<1024x256xi1>, vector<1024x256xf32>
      %reduce_sum3A_40 = arith.constant dense<0.000000e+00> : vector<256xf32>
      %reduce_sum3A_41 = vector.multi_reduction <add>, %select_n3A_39, %reduce_sum3A_40 [0] : vector<1024x256xf32> to vector<256xf32>
      %broadcast_in_dim3A_42 = vector.shape_cast %reduce_sum3A_41 : vector<256xf32> to vector<1x256xf32>
      %swap3A_43 = arith.constant 1 : index
      %swap3A_44 = arith.constant 0 : index
      %swap3A_45 = vector.load %arg6[%swap3A_43, %swap3A_44] : memref<2x256xf32, #tpu.memory_space<vmem>>, vector<1x256xf32>
      tpu.vector_store %arg6[%swap3A_43, %swap3A_44], %broadcast_in_dim3A_42 {strides = array<i32>} : memref<2x256xf32, #tpu.memory_space<vmem>>, vector<1x256xf32>,
    } else {
    }
    %get3A = arith.constant 0 : index
    %get3A_2 = arith.constant 0 : index
    %get3A_3 = vector.load %arg6[%get3A, %get3A_2] : memref<2x256xf32, #tpu.memory_space<vmem>>, vector<1x256xf32>
    %get3A_4 = arith.constant 1 : index
    %get3A_5 = arith.constant 0 : index
    %get3A_6 = vector.load %arg6[%get3A_4, %get3A_5] : memref<2x256xf32, #tpu.memory_space<vmem>>, vector<1x256xf32>
    %get3A_7 = arith.constant 0 : index
    %get3A_8 = arith.constant 0 : index
    %get3A_9 = vector.load %arg3[%get3A_7, %get3A_8] : memref<1024x256xf32, #tpu.memory_space<vmem>>, vector<1024x256xf32>
    %mul3A = vector.broadcast %get3A_3 : vector<1x256xf32> to vector<1024x256xf32>
    %mul3A_10 = arith.mulf %mul3A, %get3A_9 : vector<1024x256xf32>
    %get3A_11 = arith.constant 0 : index
    %get3A_12 = arith.constant 0 : index
    %get3A_13 = vector.load %arg4[%get3A_11, %get3A_12] : memref<1024x256xf32, #tpu.memory_space<vmem>>, vector<1024x256xf32>
    %mul3A_14 = vector.broadcast %get3A_6 : vector<1x256xf32> to vector<1024x256xf32>
    %mul3A_15 = arith.mulf %mul3A_14, %get3A_13 : vector<1024x256xf32>
    %add3A = arith.addf %mul3A_10, %mul3A_15 : vector<1024x256xf32>
    %swap3A = arith.constant 0 : index
    %swap3A_16 = arith.constant 0 : index
    %swap3A_17 = vector.load %arg5[%swap3A, %swap3A_16] : memref<1024x256xf32, #tpu.memory_space<vmem>>, vector<1024x256xf32>
    tpu.vector_store %arg5[%swap3A, %swap3A_16], %add3A {strides = array<i32>} : memref<1024x256xf32, #tpu.memory_space<vmem>>, vector<1024x256xf32>,
    return
  }
  func.func @transform_0(%arg0: i32) -> (i32, i32) {
    %c0_i32 = arith.constant 0 : i32
    %c0_i32_0 = arith.constant 0 : i32
    %c0_i32_1 = arith.constant 0 : i32
    return %c0_i32, %c0_i32_0 : i32, i32
  }
  func.func @transform_1(%arg0: i32) -> (i32, i32) {
    %c0_i32 = arith.constant 0 : i32
    %c0_i32_0 = arith.constant 0 : i32
    %c0_i32_1 = arith.constant 0 : i32
    return %c0_i32, %c0_i32_0 : i32, i32
  }
  func.func @transform_2(%arg0: i32) -> (i32, i32) {
    %c0_i32 = arith.constant 0 : i32
    %c0_i32_0 = arith.constant 0 : i32
    return %arg0, %c0_i32 : i32, i32
  }
  func.func @transform_3(%arg0: i32) -> (i32, i32) {
    %c0_i32 = arith.constant 0 : i32
    %c0_i32_0 = arith.constant 0 : i32
    return %arg0, %c0_i32 : i32, i32
  }
  func.func @transform_4(%arg0: i32) -> (i32, i32) {
    %c0_i32 = arith.constant 0 : i32
    %c0_i32_0 = arith.constant 0 : i32
    return %arg0, %c0_i32 : i32, i32
  }
}

</mosaic_0001>

<sc_bundles>
// kernel: kernel.4.cloned.1.call-start
scs
__scs_entry_jumppad:
0x0: {  	(pc) =	sbr.rel $0x88, $3  }
0x1: {  	(tag) =	ssettag $0x0;
	lr =	simm.s32 $0x1  }
0x2: {  	[smem:$0x3F9C] =	sst lr;
	_ =	strace $0xD0000000  }
0x3: {  	_ = 	snop  }
0x4: {  	_ = 	snop  }
0x5: {  	_ = 	snop  }
0x6: {  	_ = 	snop  }
0x7: {  	_ = 	snop  }
__scs_overlays_trampoline_lowered:
0x8: {  	[smem:$0x3FAB] =	sst s0  }
0x9: {  	[smem:$0x3FAC] =	sst s1  }
0xa: {  	[smem:$0x3FAD] =	sst s2  }
0xb: {  	[smem:$0x3FAE] =	sst s3  }
0xc: {  	[smem:$0x3FAF] =	sst s4  }
0xd: {  	[smem:$0x3FB0] =	sst s5  }
0xe: {  	[smem:$0x3FB1] =	sst s6  }
0xf: {  	[smem:$0x3FB2] =	sst s7  }
0x10: {  	[smem:$0x3FB3] =	sst s8  }
0x11: {  	[smem:$0x3FB4] =	sst s9;
	s0 =	simm.s32 @!p0 $0x0  }
0x12: {  	s1 =	sld [smem:$0x3F9A];
	s0 =	simm.s32 @p0 $0x1  }
0x13: {  	[smem:$0x3FB5] =	sst s0;
	s0 =	simm.s32 @!p1 $0x0  }
0x14: {  	s2 =	sld [smem:$0x3F99];
	s0 =	simm.s32 @p1 $0x1  }
0x15: {  	[smem:$0x3FB6] =	sst s0;
	s0 =	simm.s32 @!p2 $0x0  }
0x16: {  	s3 =	sld [smem:$0x3FDB];
	s0 =	simm.s32 @p2 $0x1  }
0x17: {  	s4 =	simm.s32 $0x1BF5;
	[smem:$0x3FB8] =	sst s0  }
0x18: {  	s0 =	sld [smem:$0x3F9B];
	_ =	swait.ge [sflag:s4], $0x0  }
0x19: {  	s7 =	sld [smem:$0x3F9C]  }
0x1a: {  	s8 =	sadd.s32 $0xFFFFE003, lr  }
0x1b: {  	s9 =	sadd.s32 $0xFFFFFEF7, lr;
	s5 =	simm.s32 $0xFFFFFFFF;
	p2 =	slt.u32 s8, $0xFFFFF086  }
0x1c: {  	p1 =	slt.u32 s9, $0xF7A;
	s5 =	simm.s32 @!p2 $0x0  }
0x1d: {  	s5 =	simm.s32 @p1 $0x1;
	p0 =	seq.s32 s7, s2  }
0x1e: {  	s7 =	smul.u32 @!p0 $0xF7A, s2;
	p2 =	seq.s32 @!p0 s5, $0x0  }
0x1f: {  	s9 =	smul.u32 $0xF7A, s1;
	s8 =	simm.s32 @!p0 $0x1BF5;
	p2 =	por !p2, p0  }
0x20: {  	[sflag:s8] =	ssyncset.s32 @!p0 $0xFFFFF086;
	s6 =	sadd.s32 @!p0 s3, s7;
	s7 =	simm.s32 @!p0 $0x108  }
0x21: {  	s3 =	sadd.s32 s3, s9;
	s6 =	sadd.s32 @!p0 $0x88, s6;
	s7 =	simm.s32 @p2 $0x1082  }
0x22: {  	[simem:s7], [sflag:s8] =	dma.local @!p0 [hbm:s6], $0xF7A  }
0x23: {  	s9 =	sor.u32 $0xD0000000, s2;
	s6 =	simm.s32 $0x108;
	_ =	swait.ge @!p0 [sflag:s8], $0x0  }
0x24: {  	s3 =	sadd.s32 $0x88, s3;
	s6 =	simm.s32 @!p1 $0x1082;
	[sflag:s4] =	ssyncset.s32 $0xFFFFF086  }
0x25: {  	[simem:s6], [sflag:s4] =	dma.local [hbm:s3], $0xF7A  }
0x26: {  	[smem:$0x3F9C] =	sst s1;
	(tag) =	ssettag s2;
	_ =	strace s9  }
0x27: {  	s1 =	sld [smem:$0x3FAC]  }
0x28: {  	s2 =	sld [smem:$0x3FAD]  }
0x29: {  	s4 =	sld [smem:$0x3FAF]  }
0x2a: {  	p0 =	seq.s32 s5, $0x0;
	s5 =	sld [smem:$0x3FB0]  }
0x2b: {  	s6 =	sld [smem:$0x3FB1]  }
0x2c: {  	s7 =	sld [smem:$0x3FB2]  }
0x2d: {  	s3 =	simm.s32 $0x108;
	s8 =	sld [smem:$0x3FB3]  }
0x2e: {  	s3 =	simm.s32 @!p0 $0x1082;
	s9 =	sld [smem:$0x3FB4]  }
0x2f: {  	lr =	sadd.s32 s0, s3;
	s0 =	sld [smem:$0x3FAB]  }
0x30: {  	s3 =	sld [smem:$0x3FAE]  }
0x31: {  	[smem:$0x3FB7] =	sst s10  }
0x32: {  	s10 =	sld [smem:$0x3FB5];
	_ =	sdelay $0x3  }
0x33: {  	p0 =	seq.s32 s10, $0x1;
	s10 =	sld [smem:$0x3FB7];
	_ =	sdelay $0x3  }
0x34: {  	[smem:$0x3FB7] =	sst s10  }
0x35: {  	s10 =	sld [smem:$0x3FB6];
	_ =	sdelay $0x3  }
0x36: {  	p1 =	seq.s32 s10, $0x1;
	s10 =	sld [smem:$0x3FB7];
	_ =	sdelay $0x3  }
0x37: {  	[smem:$0x3FB7] =	sst s10  }
0x38: {  	s10 =	sld [smem:$0x3FB8]  }
0x39: {  	_ = 	snop;
	(pc) =	sbr.ind lr, $3  }
0x3a: {  	_ = 	snop  }
0x3b: {  	_ = 	snop  }
0x3c: {  	p2 =	seq.s32 s10, $0x1;
	s10 =	sld [smem:$0x3FB7]  }
0x3d: {  	_ =	shalt  }
0x3e: {  	_ =	shalt  }
0x3f: {  	_ =	shalt  }
0x40: {  	_ =	shalt  }
0x41: {  	_ =	shalt  }
0x42: {  	_ =	shalt  }
0x43: {  	_ =	shalt  }
0x44: {  	_ =	shalt  }
0x45: {  	_ =	shalt  }
0x46: {  	_ =	shalt  }
0x47: {  	_ =	shalt  }
0x48: {  	_ =	shalt  }
0x49: {  	_ =	shalt  }
0x4a: {  	_ =	shalt  }
0x4b: {  	_ =	shalt  }
0x4c: {  	_ =	shalt  }
0x4d: {  	_ =	shalt  }
0x4e: {  	_ =	shalt  }
0x4f: {  	_ =	shalt  }
0x50: {  	_ =	shalt  }
0x51: {  	_ =	shalt  }
0x52: {  	_ =	shalt  }
0x53: {  	_ =	shalt  }
0x54: {  	_ =	shalt  }
0x55: {  	_ =	shalt  }
0x56: {  	_ =	shalt  }
0x57: {  	_ =	shalt  }
0x58: {  	_ =	shalt  }
0x59: {  	_ =	shalt  }
0x5a: {  	_ =	shalt  }
0x5b: {  	_ =	shalt  }
0x5c: {  	_ =	shalt  }
0x5d: {  	_ =	shalt  }
0x5e: {  	_ =	shalt  }
0x5f: {  	_ =	shalt  }
0x60: {  	_ =	shalt  }
0x61: {  	_ =	shalt  }
0x62: {  	_ =	shalt  }
0x63: {  	_ =	shalt  }
0x64: {  	_ =	shalt  }
0x65: {  	_ =	shalt  }
0x66: {  	_ =	shalt  }
0x67: {  	_ =	shalt  }
0x68: {  	_ =	shalt  }
0x69: {  	_ =	shalt  }
0x6a: {  	_ =	shalt  }
0x6b: {  	_ =	shalt  }
0x6c: {  	_ =	shalt  }
0x6d: {  	_ =	shalt  }
0x6e: {  	_ =	shalt  }
0x6f: {  	_ =	shalt  }
0x70: {  	_ =	shalt  }
0x71: {  	_ =	shalt  }
0x72: {  	_ =	shalt  }
0x73: {  	_ =	shalt  }
0x74: {  	_ =	shalt  }
0x75: {  	_ =	shalt  }
0x76: {  	_ =	shalt  }
0x77: {  	_ =	shalt  }
0x78: {  	_ =	shalt  }
0x79: {  	_ =	shalt  }
0x7a: {  	_ =	shalt  }
0x7b: {  	_ =	shalt  }
0x7c: {  	_ =	shalt  }
0x7d: {  	_ =	shalt  }
0x7e: {  	_ =	shalt  }
0x7f: {  	_ =	shalt  }
0x80: {  	_ =	shalt  }
0x81: {  	_ =	shalt  }
0x82: {  	_ =	shalt  }
0x83: {  	_ =	shalt  }
0x84: {  	_ =	shalt  }
0x85: {  	_ =	shalt  }
0x86: {  	_ =	shalt  }
0x87: {  	_ =	shalt  }
.Lfunc_end0:
.L_simem_size_0:
called_computation_lowered:
.L_overlay_start_0:
0x88: {  	s2 =	sld [smem:$0x3FD9]  }
0x89: {  	s3 =	sld [smem:$0x3FFE];
	_ =	sdelay $0x1  }
0x8a: {  	s1 =	srdreg.scid  }
0x8b: {  	s0 =	sand.u32 $0x1, s1  }
0x8c: {  	s17 =	sshll.u32 s0, $0xA;
	s2 =	sadd.s32 s3, s2  }
0x8d: {  	s2 =	sadd.s32 s2, s17  }
0x8e: {  	[smem:$0x3FC3] =	sst s2  }
0x8f: {  	_ = 	snop  }
0x90: {  	s2 =	sld [smem:$0x3FC9]  }
0x91: {  	s18 =	sld [smem:$0x3FC8]  }
0x92: {  	s4 =	sld [smem:$0x3FC7];
	(tm) =	ssettm $0x1  }
0x93: {  	s5 =	sld [smem:$0x3FFB];
	_ =	sdelay $0x3  }
0x94: {  	_ =	strace s5  }
0x95: {  	s5 =	sld [smem:$0x3FFC];
	_ =	sdelay $0x3  }
0x96: {  	_ =	strace s5  }
0x97: {  	s5 =	sld [smem:$0x3FFD];
	_ =	sdelay $0x3  }
0x98: {  	_ =	strace s5  }
0x99: {  	_ =	strace $0x8FFFFFFF  }
0x9a: {  	s19 =	sld [smem:$0x3FDB];
	_ =	sdelay $0x1  }
0x9b: {  	s6 =	simm.s32 $_scs_section_size  }
0x9c: {  	s7 =	simm.s32 $_size__tile_overlayer_lowered;
	s8 =	simm.s32 $_tile_overlayer_lowered  }
0x9d: {  	s22 =	simm.s32 $0x1BFF;
	s21 =	sshll.u32 s8, $0x1;
	s5 =	sadd.s32 s6, s19  }
0x9e: {  	s9 =	simm.s32 $0x0;
	s20 =	sshll.u32 s7, $0x1;
	s7 =	sadd.s32 s21, s5  }
0x9f: {  	[timem:s9], [sflag:s22] =	dma.local [hbm:s7], s20  }
0xa0: {  	_ =	swait.ge [sflag:s22], s20  }
0xa1: {  	s6 =	ssub.s32 $0x0, s20;
	[sflag:s22] =	ssyncset.done $0x0  }
0xa2: {  	[sflag:s22] =	ssyncadd.s32 s6;
	_ =	sdelay $0x1  }
0xa3: {  	s23 =	simm.s32 $0x1B8B  }
0xa4: {  	_ =	swait.ge [sflag:s23], $0x1  }
0xa5: {  	[sflag:s23] =	ssyncset.done $0x0  }
0xa6: {  	s25 =	simm.s32 $0x1B8E;
	s24 =	sld [smem:$0x3FFE];
	[sflag:s23] =	ssyncadd.s32 $0xFFFFFFFF  }
0xa7: {  	s26 =	simm.s32 $execute0_lowered;
	[smem:$0x3FD2] =	sst s25  }
0xa8: {  	s7 =	sshll.u32 s26, $0x1;
	_ =	strace $0x80000046;
	[dreg:$0x1] =	wrdreg $0xFFFFFFFF  }
0xa9: {  	s28 =	simm.s32 $_size_execute0_lowered;
	s5 =	sadd.s32 s5, s7;
	[dreg:$0x0] =	wrdreg $0x0  }
0xaa: {  	s7 =	sshll.u32 s28, $0x1;
	[dreg:$0x2] =	wrdreg s5  }
0xab: {  	[dreg:$0x3] =	wrdreg s7  }
0xac: {  	[dreg:$0x4] =	wrdreg $0xC0  }
0xad: {  	_ =	task [dreg:s9], $0x5FFFF  }
0xae: {  	[dreg:$0x1] =	wrdreg $0xFFFFFFFF  }
0xaf: {  	[dreg:$0x0] =	wrdreg $0x60  }
0xb0: {  	[dreg:$0x2] =	wrdreg s2  }
0xb1: {  	[dreg:$0x3] =	wrdreg s18  }
0xb2: {  	[dreg:$0x4] =	wrdreg s4  }
0xb3: {  	[dreg:$0x5] =	wrdreg s24  }
0xb4: {  	[dreg:$0x6] =	wrdreg $0x9  }
0xb5: {  	_ =	task.clear_ibuf [dreg:s9], $0x7FFFF;
	_ =	strace $0x90000046  }
0xb6: {  	s29 =	simm.s32 $0x9;
	_ =	strace $0x80000048  }
0xb7: {  	_ =	swait.ge [sflag:s29], $0x1  }
0xb8: {  	[sflag:s29] =	ssyncadd.s32 $0xFFFFFFFF  }
0xb9: {  	_ =	strace $0x90000048  }
0xba: {  	_ =	sfence  }
0xbb: {  	s30 =	sld [smem:$0x0];
	_ =	sdelay $0x2  }
0xbc: {  	s31 =	sshll.u32 s1, $0xD;
	s1 =	sshrl.u32 s1, $0x2  }
0xbd: {  	s3 =	sand.u32 $0x4000, s31;
	s1 =	sadd.s32 s1, s30  }
0xbe: {  	s0 =	sor.u32 s3, s0;
	s1 =	sshll.u32 s1, $0x11  }
0xbf: {  	s0 =	sor.u32 s1, s0  }
0xc0: {  	s0 =	sadd.s32 $0x8F2B, s0  }
0xc1: {  	[sflag:s0] =	ssyncadd.remote.s32 $0x1  }
0xc2: {  	_ =	sfence.sel $0xFFFF  }
0xc3: {  	[dreg:$0x0] =	wrdreg $0xFFFFFFFF;
	(pc) =	sbr.abs _section_cstart, $3  }
0xc4: {  	[dreg:$0x1] =	wrdreg $0xFFFFFFFF  }
0xc5: {  	_ =	task.clear_ibuf [dreg:s9], $0x2FFFF;
	_ =	strace $0x9FFFFFFF  }
0xc6: {  	(tm) =	ssettm $0x7FFFFFFF  }
0xc7: {  	_ =	shalt  }
tec
execute0_lowered:
.L_overlay_start_1:
0x0: {  	(tag) =	ssettag $0x1  }
0x1: {  	s8 =	rddreg [dreg:$0x0]  }
0x2: {  	s1 =	rddreg [dreg:$0x1]  }
0x3: {  	s9 =	rddreg [dreg:$0x2]  }
0x4: {  	s6 =	rddreg [dreg:$0x3];
	s3 =	simm.s32 $0x0;
	s4 =	srdreg.scid  }
0x5: {  	s0 =	stileid.u32;
	s14 =	simm.s32 $0x400;
	s15 =	simm.s32 $0x800  }
0x6: {  	s16 =	simm.s32 $0x900;
	s17 =	simm.s32 $0x4900;
	s18 =	simm.s32 $0x2900  }
0x7: {  	s19 =	simm.s32 $0x6900;
	s20 =	simm.s32 $0x1;
	s21 =	simm.s32 $0x8900  }
0x8: {  	s22 =	simm.s32 $0x2;
	s23 =	simm.s32 $0xA900;
	s24 =	simm.s32 $0x3  }
0x9: {  	s25 =	simm.s32 $0x4;
	s26 =	simm.s32 $0x0;
	[smem:$0x7FF] =	sst s3  }
0xa: {  	s5 =	sand.u32 $0x1, s4;
	s7 =	sshll.u32 s0, $0xC;
	s4 =	sadd.s32 $0xC00, s6  }
0xb: {  	_ =	strace $0x80000047;
	s10 =	sshll.u32 s5, $0xB;
	s29 =	ssub.s32 $0x2, s5  }
0xc: {  	s5 =	sadd.s32 $0xE00, s6;
	s7 =	sor.u32 s10, s7;
	s30 =	sshrl.u32 s29, $0x1  }
0xd: {  	s11 =	sadd.s32 s7, s6;
	s12 =	ssub.s32 s29, s30;
	s31 =	sor.u32 $0x70000, s7  }
0xe: {  	s13 =	sor.u32 $0x70400, s7;
	s6 =	sadd.s32 s8, s31;
	s7 =	sadd.s32 s9, s31  }
0xf: {  	s8 =	sadd.s32 s8, s13;
	s9 =	sadd.s32 s9, s13;
	s10 =	sadd.s32 $0x1000, s11  }
0x10: {  	s11 =	sadd.s32 $0x1400, s11;
	s12 =	smax.u32 s12, $0x1;
	s13 =	simm.s32 $0x5  }
.LBB2_1:
0x11: {  	[tilespmem:s3], [sflag:$0x5] =	stream.linear.gather [hbm4b:s4+s3], $0x400, $0x38;
	[tilespmem:$0xC900] =	vst v63  }
0x12: {  	_ =	swait.ge [sflag:s13], $0x400  }
0x13: {  	[sflag:s13] =	ssyncset.done $0x0  }
0x14: {  	[sflag:s13] =	ssyncadd.s32 $0xFFFFFC00  }
0x15: {  	[tilespmem:s14], [sflag:$0x5] =	stream.linear.gather [hbm4b:s5+s3], $0x400, $0x38;
	[tilespmem:$0xC900] =	vst v63  }
0x16: {  	_ =	swait.ge [sflag:s13], $0x400  }
0x17: {  	[sflag:s13] =	ssyncset.done $0x0  }
0x18: {  	[sflag:s13] =	ssyncadd.s32 $0xFFFFFC00  }
0x19: {  	[tilespmem:s15], [sflag:$0x5] =	stream.linear.gather [hbm4b:s1+s3], $0x100, $0x38;
	[tilespmem:$0xC900] =	vst v63  }
0x1a: {  	_ =	swait.ge [sflag:s13], $0x100  }
0x1b: {  	[sflag:s13] =	ssyncset.done $0x0  }
0x1c: {  	[sflag:s13] =	ssyncadd.s32 $0xFFFFFF00  }
0x1d: {  	v1 =	vld [tilespmem:$0x800]  }
0x1e: {  	v3 =	vld [tilespmem:$0x810]  }
0x1f: {  	v5 =	vld [tilespmem:$0x820]  }
0x20: {  	v7 =	vld [tilespmem:$0x830]  }
0x21: {  	v9 =	vld [tilespmem:$0x840]  }
0x22: {  	v11 =	vld [tilespmem:$0x850]  }
0x23: {  	v13 =	vld [tilespmem:$0x860]  }
0x24: {  	v15 =	vld [tilespmem:$0x870]  }
0x25: {  	v17 =	vld [tilespmem:$0x880]  }
0x26: {  	v19 =	vld [tilespmem:$0x890]  }
0x27: {  	v20 =	vld [tilespmem:$0x8A0]  }
0x28: {  	v22 =	vld [tilespmem:$0x8B0]  }
0x29: {  	v23 =	vld [tilespmem:$0x8D0]  }
0x2a: {  	v31 =	vld [tilespmem:$0x8F0]  }
0x2b: {  	v0 =	vld.idx.msk [tilespmem:v1+s3+$0x0], $0xffff  }
0x2c: {  	v1 =	vld.idx.msk [tilespmem:v1+s14+$0x0], $0xffff  }
0x2d: {  	v2 =	vld.idx.msk [tilespmem:v3+s3+$0x0], $0xffff  }
0x2e: {  	v3 =	vld.idx.msk [tilespmem:v3+s14+$0x0], $0xffff  }
0x2f: {  	v4 =	vld.idx.msk [tilespmem:v5+s3+$0x0], $0xffff  }
0x30: {  	v5 =	vld.idx.msk [tilespmem:v5+s14+$0x0], $0xffff  }
0x31: {  	v6 =	vld.idx.msk [tilespmem:v7+s3+$0x0], $0xffff  }
0x32: {  	v7 =	vld.idx.msk [tilespmem:v7+s14+$0x0], $0xffff  }
0x33: {  	v8 =	vld.idx.msk [tilespmem:v9+s3+$0x0], $0xffff  }
0x34: {  	v9 =	vld.idx.msk [tilespmem:v9+s14+$0x0], $0xffff  }
0x35: {  	v10 =	vld.idx.msk [tilespmem:v11+s3+$0x0], $0xffff  }
0x36: {  	v11 =	vld.idx.msk [tilespmem:v11+s14+$0x0], $0xffff  }
0x37: {  	v12 =	vld.idx.msk [tilespmem:v13+s3+$0x0], $0xffff  }
0x38: {  	v13 =	vld.idx.msk [tilespmem:v13+s14+$0x0], $0xffff  }
0x39: {  	v14 =	vld.idx.msk [tilespmem:v15+s3+$0x0], $0xffff  }
0x3a: {  	v15 =	vld.idx.msk [tilespmem:v15+s14+$0x0], $0xffff  }
0x3b: {  	v16 =	vld.idx.msk [tilespmem:v17+s3+$0x0], $0xffff  }
0x3c: {  	v17 =	vld.idx.msk [tilespmem:v17+s14+$0x0], $0xffff  }
0x3d: {  	v18 =	vld.idx.msk [tilespmem:v19+s3+$0x0], $0xffff  }
0x3e: {  	v21 =	vld.idx.msk [tilespmem:v19+s14+$0x0], $0xffff  }
0x3f: {  	v19 =	vld [tilespmem:$0x8C0]  }
0x40: {  	v24 =	vld.idx.msk [tilespmem:v20+s3+$0x0], $0xffff  }
0x41: {  	v28 =	vld.idx.msk [tilespmem:v20+s14+$0x0], $0xffff  }
0x42: {  	v20 =	vld [tilespmem:$0x8E0]  }
0x43: {  	v29 =	vld.idx.msk [tilespmem:v22+s3+$0x0], $0xffff  }
0x44: {  	v27 =	vld.idx.msk [tilespmem:v22+s14+$0x0], $0xffff  }
0x45: {  	v22 =	vld.idx.msk [tilespmem:v23+s3+$0x0], $0xffff  }
0x46: {  	v23 =	vld.idx.msk [tilespmem:v23+s14+$0x0], $0xffff  }
0x47: {  	v30 =	vld.idx.msk [tilespmem:v31+s3+$0x0], $0xffff  }
0x48: {  	v31 =	vld.idx.msk [tilespmem:v31+s14+$0x0], $0xffff  }
0x49: {  	v25 =	vld.idx.msk [tilespmem:v19+s3+$0x0], $0xffff  }
0x4a: {  	v26 =	vld.idx.msk [tilespmem:v19+s14+$0x0], $0xffff  }
0x4b: {  	v19 =	vld.idx.msk [tilespmem:v20+s3+$0x0], $0xffff  }
0x4c: {  	v20 =	vld.idx.msk [tilespmem:v20+s14+$0x0], $0xffff;
	[tilespmem:s16], [sflag:$0x1] =	stream.linear.gather [hbm4b:s6+s3], $0x2000, $0x38  }
0x4d: {  	_ = 	snop  }
0x4e: {  	[tilespmem:s17], [sflag:$0x1] =	stream.linear.gather [hbm4b:s7+s3], $0x2000, $0x38;
	[tilespmem:$0xC900] =	vst v63  }
0x4f: {  	_ = 	snop  }
0x50: {  	[tilespmem:s18], [sflag:$0x2] =	stream.linear.gather [hbm4b:s8+s3], $0x2000, $0x38;
	[tilespmem:$0xC900] =	vst v63  }
0x51: {  	_ = 	snop  }
0x52: {  	[tilespmem:s19], [sflag:$0x2] =	stream.linear.gather [hbm4b:s9+s3], $0x2000, $0x38;
	[tilespmem:$0xC900] =	vst v63  }
0x53: {  	_ =	swait.ge [sflag:s20], $0x2000  }
0x54: {  	[sflag:s20] =	ssyncset.done $0x0  }
0x55: {  	[sflag:s20] =	ssyncadd.s32 $0xFFFFE000  }
0x56: {  	_ =	swait.ge [sflag:s20], $0x2000  }
0x57: {  	s28 =	sand.u32 $0x1800, s3;
	s29 =	sand.u32 $0x300, s3;
	[sflag:s20] =	ssyncset.done $0x0  }
0x58: {  	s28 =	sor.u32 s29, s28;
	[sflag:s20] =	ssyncadd.s32 $0xFFFFE000  }
0x59: {  	v32 =	vld [tilespmem:s28+$0x900]  }
0x5a: {  	v33 =	vld [tilespmem:s28+$0x4900]  }
0x5b: {  	v34 =	vld [tilespmem:s28+$0x910]  }
0x5c: {  	v35 =	vld [tilespmem:s28+$0x4910]  }
0x5d: {  	v36 =	vld [tilespmem:s28+$0x920]  }
0x5e: {  	v37 =	vld [tilespmem:s28+$0x4920]  }
0x5f: {  	v38 =	vld [tilespmem:s28+$0x930]  }
0x60: {  	v39 =	vld [tilespmem:s28+$0x4930]  }
0x61: {  	v56 =	vld [tilespmem:s28+$0x940]  }
0x62: {  	v40 =	vld [tilespmem:s28+$0x4940]  }
0x63: {  	v58 =	vld [tilespmem:s28+$0x950]  }
0x64: {  	v61 =	vld [tilespmem:s28+$0x4950]  }
0x65: {  	v63 =	vld [tilespmem:s28+$0x960]  }
0x66: {  	v46 =	vld [tilespmem:s28+$0x4960]  }
0x67: {  	v48 =	vld [tilespmem:s28+$0x970]  }
0x68: {  	v50 =	vld [tilespmem:s28+$0x4970]  }
0x69: {  	v41 =	vld [tilespmem:s28+$0xDF0]  }
0x6a: {  	v52 =	vld [tilespmem:s28+$0xD00]  }
0x6b: {  	v42 =	vld [tilespmem:s28+$0x4DF0]  }
0x6c: {  	v53 =	vld [tilespmem:s28+$0x4D00]  }
0x6d: {  	v55 =	vld [tilespmem:s28+$0xD10]  }
0x6e: {  	v43 =	vld [tilespmem:s28+$0x4980];
	v60 =	vmul.f32 v37, v5;
	v44 =	vmul.f32 v38, v6  }
0x6f: {  	v45 =	vmul.f32 v39, v7;
	v49 =	vmul.f32 v40, v9;
	v40 =	vld [tilespmem:s28+$0x4D20]  }
0x70: {  	v37 =	vmul.f32 v61, v11;
	v61 =	vmul.f32 v42, v31;
	v42 =	vld [tilespmem:s28+$0x4D30]  }
0x71: {  	v59 =	vmul.f32 v36, v4;
	v36 =	vmul.f32 v48, v14;
	v48 =	vld [tilespmem:s28+$0x9B0]  }
0x72: {  	v32 =	vmul.f32 v32, v0;
	v33 =	vmul.f32 v33, v1;
	v47 =	vadd.f32 v45, v44;
	v44 =	vld [tilespmem:s28+$0x990]  }
0x73: {  	v34 =	vmul.f32 v34, v2;
	v35 =	vmul.f32 v35, v3;
	v45 =	vld [tilespmem:s28+$0x4990]  }
0x74: {  	v32 =	vadd.f32 v33, v32;
	v33 =	vmul.f32 v56, v8;
	v56 =	vmul.f32 v46, v13;
	v46 =	vld [tilespmem:s28+$0x9A0]  }
0x75: {  	v57 =	vadd.f32 v35, v34;
	v35 =	vmul.f32 v63, v12;
	v63 =	vld [tilespmem:s28+$0x49B0]  }
0x76: {  	v62 =	vadd.f32 v60, v59;
	v59 =	vmul.f32 v50, v15;
	v50 =	vld [tilespmem:s28+$0x4D70]  }
0x77: {  	v34 =	vmul.f32 v58, v10;
	[tilespmem:s28+$0x8910] =	vst v57;
	v57 =	vld [tilespmem:s28+$0x4D10]  }
0x78: {  	v58 =	vadd.f32 v56, v35;
	v35 =	vld [tilespmem:s28+$0xD20]  }
0x79: {  	v54 =	vadd.f32 v37, v34;
	v37 =	vld [tilespmem:s28+$0xD30]  }
0x7a: {  	[tilespmem:s28+$0x8920] =	vst v62;
	v62 =	vld [tilespmem:s28+$0x980]  }
0x7b: {  	v60 =	vmul.f32 v41, v30;
	[tilespmem:s28+$0x8930] =	vst v47;
	v47 =	vld [tilespmem:s28+$0x49A0]  }
0x7c: {  	v51 =	vadd.f32 v49, v33;
	v49 =	vld [tilespmem:s28+$0xD50]  }
0x7d: {  	[tilespmem:s28+$0x8900] =	vst v32;
	v36 =	vadd.f32 v59, v36;
	v32 =	vadd.f32 v61, v60;
	v60 =	vld [tilespmem:s28+$0x49E0]  }
0x7e: {  	v59 =	vmul.f32 v48, v6;
	v48 =	vld [tilespmem:s28+$0xD60]  }
0x7f: {  	[tilespmem:s28+$0x8970] =	vst v36;
	v36 =	vld [tilespmem:s28+$0xD40]  }
0x80: {  	[tilespmem:s28+$0x8DF0] =	vst v32;
	v32 =	vld [tilespmem:s28+$0x4D40]  }
0x81: {  	v38 =	vmul.f32 v53, v17;
	v33 =	vmul.f32 v52, v16;
	[tilespmem:s28+$0x8950] =	vst v54;
	v54 =	vld [tilespmem:s28+$0x49C0]  }
0x82: {  	v43 =	vmul.f32 v43, v1;
	v52 =	vmul.f32 v44, v2;
	v44 =	vld [tilespmem:s28+$0x9E0]  }
0x83: {  	v33 =	vadd.f32 v38, v33;
	v38 =	vmul.f32 v63, v7;
	v63 =	vld [tilespmem:s28+$0x9F0];
	v41 =	vmul.f32 v62, v0  }
0x84: {  	[tilespmem:s28+$0x8940] =	vst v51;
	v53 =	vmul.f32 v45, v3;
	v39 =	vmul.f32 v57, v21;
	v57 =	vld [tilespmem:s28+$0x49D0]  }
0x85: {  	v34 =	vmul.f32 v55, v18;
	[tilespmem:s28+$0x8960] =	vst v58;
	v55 =	vmul.f32 v46, v4;
	v41 =	vadd.f32 v43, v41;
	v43 =	vld [tilespmem:s28+$0x9C0]  }
0x86: {  	[tilespmem:s28+$0x8D00] =	vst v33;
	v33 =	vadd.f32 v53, v52;
	v56 =	vmul.f32 v47, v5;
	v53 =	vmul.f32 v54, v9;
	v54 =	vld [tilespmem:s28+$0x49F0]  }
0x87: {  	v34 =	vadd.f32 v39, v34;
	[tilespmem:s28+$0x8980] =	vst v41;
	v41 =	vld [tilespmem:s28+$0x9D0]  }
0x88: {  	v46 =	vld [tilespmem:s28+$0x4D90];
	v61 =	vmul.f32 v35, v24;
	v62 =	vmul.f32 v40, v28;
	[tilespmem:s28+$0x8990] =	vst v33;
	v58 =	vadd.f32 v56, v55  }
0x89: {  	v60 =	vmul.f32 v60, v13;
	v39 =	vld [tilespmem:s28+$0x4D50];
	[tilespmem:s28+$0x8D10] =	vst v34;
	v34 =	vadd.f32 v38, v59;
	v59 =	vmul.f32 v44, v12  }
0x8a: {  	v40 =	vld [tilespmem:s28+$0xD80];
	v33 =	vadd.f32 v62, v61;
	[tilespmem:s28+$0x89A0] =	vst v58;
	v52 =	vmul.f32 v43, v8  }
0x8b: {  	v58 =	vld [tilespmem:s28+$0x4D80];
	v38 =	vmul.f32 v63, v14;
	[tilespmem:s28+$0x89B0] =	vst v34;
	v34 =	vadd.f32 v60, v59;
	v63 =	vmul.f32 v54, v15  }
0x8c: {  	v35 =	vld [tilespmem:s28+$0x4D60];
	[tilespmem:s28+$0x8D20] =	vst v33;
	v57 =	vmul.f32 v57, v11;
	v55 =	vadd.f32 v53, v52;
	v56 =	vmul.f32 v41, v10  }
0x8d: {  	v47 =	vld [tilespmem:s28+$0xD70];
	v51 =	vmul.f32 v36, v25;
	v32 =	vmul.f32 v32, v26;
	[tilespmem:s28+$0x89E0] =	vst v34;
	v38 =	vadd.f32 v63, v38  }
0x8e: {  	v41 =	vld [tilespmem:s28+$0xD90];
	v52 =	vmul.f32 v49, v22;
	v53 =	vmul.f32 v39, v23;
	[tilespmem:s28+$0x89C0] =	vst v55;
	v33 =	vadd.f32 v57, v56  }
0x8f: {  	v45 =	vld [tilespmem:s28+$0x4DA0];
	v61 =	vmul.f32 v37, v29;
	v62 =	vmul.f32 v42, v27;
	v55 =	vadd.f32 v32, v51;
	[tilespmem:s28+$0x89F0] =	vst v38  }
0x90: {  	v42 =	vld [tilespmem:s28+$0xDA0];
	v56 =	vmul.f32 v40, v16;
	v57 =	vmul.f32 v58, v17;
	v36 =	vadd.f32 v53, v52;
	[tilespmem:s28+$0x89D0] =	vst v33  }
0x91: {  	v35 =	vmul.f32 v35, v20;
	v54 =	vld [tilespmem:s28+$0xDB0];
	v58 =	vmul.f32 v48, v19;
	v33 =	vadd.f32 v62, v61;
	[tilespmem:s28+$0x8D40] =	vst v55  }
0x92: {  	v59 =	vmul.f32 v47, v30;
	v60 =	vmul.f32 v50, v31;
	v32 =	vld [tilespmem:s28+$0x4DB0];
	v39 =	vadd.f32 v57, v56;
	[tilespmem:s28+$0x8D50] =	vst v36  }
0x93: {  	v34 =	vld [tilespmem:s28+$0xDC0];
	v63 =	vmul.f32 v46, v21;
	v35 =	vadd.f32 v35, v58;
	v62 =	vmul.f32 v41, v18;
	[tilespmem:s28+$0x8D30] =	vst v33  }
0x94: {  	v61 =	vadd.f32 v60, v59;
	v33 =	vld [tilespmem:s28+$0x4DC0];
	[tilespmem:s28+$0x8D80] =	vst v39  }
0x95: {  	v38 =	vmul.f32 v42, v24;
	[tilespmem:s28+$0x8D60] =	vst v35;
	v35 =	vld [tilespmem:s28+$0xDD0];
	v39 =	vmul.f32 v45, v28;
	v40 =	vadd.f32 v63, v62  }
0x96: {  	s30 =	simm.s32 $0x100;
	s31 =	simm.s32 $0x200;
	s29 =	simm.s32 $0x0;
	v37 =	vmul.f32 v54, v29;
	v36 =	vld [tilespmem:s28+$0x4DD0];
	[tilespmem:s28+$0x8D70] =	vst v61  }
.LBB2_2:
0x97: {  	s0 =	sand.u32 $0x1800, s31;
	s2 =	sand.u32 $0x300, s30;
	[tilespmem:s28+$0x8D90] =	vst v40;
	v38 =	vadd.f32 v39, v38;
	v32 =	vmul.f32 v32, v27;
	v39 =	vld [tilespmem:s28+$0xDE0]  }
0x98: {  	s29 =	sadd.s32 $0x2, s29;
	s0 =	sor.u32 s2, s0;
	v34 =	vmul.f32 v34, v25;
	v40 =	vld [tilespmem:s28+$0x4DE0]  }
0x99: {  	p0 =	slt.u32 s29, $0x1E;
	v41 =	vld [tilespmem:s0+$0xDF0];
	[tilespmem:s28+$0x8DA0] =	vst v38;
	v32 =	vadd.f32 v32, v37;
	v33 =	vmul.f32 v33, v26  }
0x9a: {  	v37 =	vld [tilespmem:s0+$0x4DF0];
	v35 =	vmul.f32 v35, v22  }
0x9b: {  	v38 =	vld [tilespmem:s0+$0x900];
	[tilespmem:s28+$0x8DB0] =	vst v32;
	v32 =	vadd.f32 v33, v34;
	v33 =	vmul.f32 v36, v23  }
0x9c: {  	v34 =	vld [tilespmem:s0+$0x4900];
	v36 =	vmul.f32 v39, v19  }
0x9d: {  	v39 =	vld [tilespmem:s0+$0x910];
	[tilespmem:s28+$0x8DC0] =	vst v32;
	v32 =	vadd.f32 v33, v35;
	v33 =	vmul.f32 v40, v20  }
0x9e: {  	v35 =	vld [tilespmem:s0+$0x4910]  }
0x9f: {  	v41 =	vmul.f32 v41, v30;
	v40 =	vld [tilespmem:s0+$0x920];
	v37 =	vmul.f32 v37, v31;
	[tilespmem:s28+$0x8DD0] =	vst v32;
	v32 =	vadd.f32 v33, v36  }
0xa0: {  	v33 =	vmul.f32 v38, v0;
	v36 =	vld [tilespmem:s0+$0x4920]  }
0xa1: {  	v34 =	vmul.f32 v34, v1;
	v38 =	vld [tilespmem:s0+$0x930];
	v37 =	vadd.f32 v37, v41;
	[tilespmem:s28+$0x8DE0] =	vst v32;
	s28 =	smov.u32 s0  }
0xa2: {  	v32 =	vmul.f32 v39, v2;
	v39 =	vld [tilespmem:s28+$0x4930]  }
0xa3: {  	v33 =	vadd.f32 v34, v33;
	v34 =	vmul.f32 v35, v3;
	v35 =	vld [tilespmem:s28+$0x940];
	[tilespmem:s28+$0x8DF0] =	vst v37  }
0xa4: {  	v37 =	vmul.f32 v40, v4;
	v40 =	vld [tilespmem:s28+$0x4940]  }
0xa5: {  	[tilespmem:s28+$0x8900] =	vst v33;
	v32 =	vadd.f32 v34, v32;
	v33 =	vmul.f32 v36, v5;
	v34 =	vld [tilespmem:s28+$0x950]  }
0xa6: {  	v36 =	vmul.f32 v38, v6;
	v38 =	vld [tilespmem:s28+$0x4950]  }
0xa7: {  	[tilespmem:s28+$0x8910] =	vst v32;
	v32 =	vadd.f32 v33, v37;
	v33 =	vmul.f32 v39, v7;
	v37 =	vld [tilespmem:s28+$0x960]  }
0xa8: {  	v35 =	vmul.f32 v35, v8;
	v39 =	vld [tilespmem:s28+$0x4960]  }
0xa9: {  	[tilespmem:s28+$0x8920] =	vst v32;
	v32 =	vadd.f32 v33, v36;
	v33 =	vmul.f32 v40, v9;
	v36 =	vld [tilespmem:s28+$0x970]  }
0xaa: {  	v34 =	vmul.f32 v34, v10;
	v40 =	vld [tilespmem:s28+$0x4970]  }
0xab: {  	[tilespmem:s28+$0x8930] =	vst v32;
	v32 =	vadd.f32 v33, v35;
	v33 =	vmul.f32 v38, v11;
	v35 =	vld [tilespmem:s28+$0xD00]  }
0xac: {  	v37 =	vmul.f32 v37, v12;
	v38 =	vld [tilespmem:s28+$0x4D00]  }
0xad: {  	[tilespmem:s28+$0x8940] =	vst v32;
	v32 =	vadd.f32 v33, v34;
	v33 =	vmul.f32 v39, v13;
	v34 =	vld [tilespmem:s28+$0xD10]  }
0xae: {  	v36 =	vmul.f32 v36, v14;
	v39 =	vld [tilespmem:s28+$0x4D10]  }
0xaf: {  	[tilespmem:s28+$0x8950] =	vst v32;
	v32 =	vadd.f32 v33, v37;
	v33 =	vmul.f32 v40, v15;
	v37 =	vld [tilespmem:s28+$0xD20]  }
0xb0: {  	v35 =	vmul.f32 v35, v16;
	v40 =	vld [tilespmem:s28+$0x4D20]  }
0xb1: {  	[tilespmem:s28+$0x8960] =	vst v32;
	v32 =	vadd.f32 v33, v36;
	v33 =	vmul.f32 v38, v17;
	v36 =	vld [tilespmem:s28+$0xD30]  }
0xb2: {  	v34 =	vmul.f32 v34, v18;
	v38 =	vld [tilespmem:s28+$0x4D30]  }
0xb3: {  	[tilespmem:s28+$0x8970] =	vst v32;
	v32 =	vadd.f32 v33, v35;
	v33 =	vmul.f32 v39, v21;
	v35 =	vld [tilespmem:s28+$0xD40]  }
0xb4: {  	v37 =	vmul.f32 v37, v24;
	v39 =	vld [tilespmem:s28+$0x4D40]  }
0xb5: {  	[tilespmem:s28+$0x8D00] =	vst v32;
	v32 =	vadd.f32 v33, v34;
	v33 =	vmul.f32 v40, v28;
	v34 =	vld [tilespmem:s28+$0xD50]  }
0xb6: {  	v36 =	vmul.f32 v36, v29;
	v40 =	vld [tilespmem:s28+$0x4D50]  }
0xb7: {  	[tilespmem:s28+$0x8D10] =	vst v32;
	v32 =	vadd.f32 v33, v37;
	v33 =	vmul.f32 v38, v27;
	v37 =	vld [tilespmem:s28+$0xD60]  }
0xb8: {  	v35 =	vmul.f32 v35, v25;
	v38 =	vld [tilespmem:s28+$0x4D60]  }
0xb9: {  	[tilespmem:s28+$0x8D20] =	vst v32;
	v32 =	vadd.f32 v33, v36;
	v33 =	vmul.f32 v39, v26;
	v36 =	vld [tilespmem:s28+$0xD70]  }
0xba: {  	v34 =	vmul.f32 v34, v22;
	v39 =	vld [tilespmem:s28+$0x4D70]  }
0xbb: {  	[tilespmem:s28+$0x8D30] =	vst v32;
	v32 =	vadd.f32 v33, v35;
	v33 =	vmul.f32 v40, v23;
	v35 =	vld [tilespmem:s28+$0x980]  }
0xbc: {  	v37 =	vmul.f32 v37, v19;
	v40 =	vld [tilespmem:s28+$0x4980]  }
0xbd: {  	[tilespmem:s28+$0x8D40] =	vst v32;
	v32 =	vadd.f32 v33, v34;
	v33 =	vmul.f32 v38, v20;
	v34 =	vld [tilespmem:s28+$0x990]  }
0xbe: {  	v36 =	vmul.f32 v36, v30;
	v38 =	vld [tilespmem:s28+$0x4990]  }
0xbf: {  	[tilespmem:s28+$0x8D50] =	vst v32;
	v32 =	vadd.f32 v33, v37;
	v33 =	vmul.f32 v39, v31;
	v37 =	vld [tilespmem:s28+$0x9A0]  }
0xc0: {  	v35 =	vmul.f32 v35, v0;
	v39 =	vld [tilespmem:s28+$0x49A0]  }
0xc1: {  	[tilespmem:s28+$0x8D60] =	vst v32;
	v32 =	vadd.f32 v33, v36;
	v33 =	vmul.f32 v40, v1;
	v36 =	vld [tilespmem:s28+$0x9B0]  }
0xc2: {  	v34 =	vmul.f32 v34, v2;
	v40 =	vld [tilespmem:s28+$0x49B0]  }
0xc3: {  	[tilespmem:s28+$0x8D70] =	vst v32;
	v32 =	vadd.f32 v33, v35;
	v33 =	vmul.f32 v38, v3;
	v35 =	vld [tilespmem:s28+$0x9C0]  }
0xc4: {  	v37 =	vmul.f32 v37, v4;
	v38 =	vld [tilespmem:s28+$0x49C0]  }
0xc5: {  	[tilespmem:s28+$0x8980] =	vst v32;
	v32 =	vadd.f32 v33, v34;
	v33 =	vmul.f32 v39, v5;
	v34 =	vld [tilespmem:s28+$0x9D0]  }
0xc6: {  	v36 =	vmul.f32 v36, v6;
	v39 =	vld [tilespmem:s28+$0x49D0]  }
0xc7: {  	[tilespmem:s28+$0x8990] =	vst v32;
	v32 =	vadd.f32 v33, v37;
	v33 =	vmul.f32 v40, v7;
	v37 =	vld [tilespmem:s28+$0x9E0]  }
0xc8: {  	v35 =	vmul.f32 v35, v8;
	v40 =	vld [tilespmem:s28+$0x49E0]  }
0xc9: {  	[tilespmem:s28+$0x89A0] =	vst v32;
	v32 =	vadd.f32 v33, v36;
	v33 =	vmul.f32 v38, v9;
	v36 =	vld [tilespmem:s28+$0x9F0]  }
0xca: {  	v34 =	vmul.f32 v34, v10;
	v38 =	vld [tilespmem:s28+$0x49F0]  }
0xcb: {  	[tilespmem:s28+$0x89B0] =	vst v32;
	v32 =	vadd.f32 v33, v35;
	v33 =	vmul.f32 v39, v11;
	v35 =	vld [tilespmem:s28+$0xD80]  }
0xcc: {  	v37 =	vmul.f32 v37, v12;
	v39 =	vld [tilespmem:s28+$0x4D80]  }
0xcd: {  	[tilespmem:s28+$0x89C0] =	vst v32;
	v32 =	vadd.f32 v33, v34;
	v33 =	vmul.f32 v40, v13;
	v34 =	vld [tilespmem:s28+$0xD90]  }
0xce: {  	v36 =	vmul.f32 v36, v14;
	v40 =	vld [tilespmem:s28+$0x4D90]  }
0xcf: {  	[tilespmem:s28+$0x89D0] =	vst v32;
	v32 =	vadd.f32 v33, v37;
	v33 =	vmul.f32 v38, v15;
	v37 =	vld [tilespmem:s28+$0xDA0]  }
0xd0: {  	v35 =	vmul.f32 v35, v16;
	v41 =	vld [tilespmem:s28+$0x4DA0]  }
0xd1: {  	[tilespmem:s28+$0x89E0] =	vst v32;
	v33 =	vadd.f32 v33, v36;
	v36 =	vmul.f32 v39, v17;
	v42 =	vld [tilespmem:s28+$0xDB0]  }
.Ltmp0:
0xd2: {  	v39 =	vmul.f32 v34, v18;
	v32 =	vld [tilespmem:s28+$0x4DB0];
	(pc) =	sbr.rel @p0 .LBB2_2-.Ltmp0, $4  }
0xd3: {  	[tilespmem:s28+$0x89F0] =	vst v33;
	v35 =	vadd.f32 v36, v35;
	v36 =	vmul.f32 v40, v21;
	v34 =	vld [tilespmem:s28+$0xDC0]  }
0xd4: {  	v38 =	vmul.f32 v37, v24;
	v33 =	vld [tilespmem:s28+$0x4DC0]  }
0xd5: {  	[tilespmem:s28+$0x8D80] =	vst v35;
	v40 =	vadd.f32 v36, v39;
	v39 =	vmul.f32 v41, v28;
	v35 =	vld [tilespmem:s28+$0xDD0]  }
0xd6: {  	s30 =	sadd.s32 $0x100, s30;
	s31 =	sadd.s32 $0x200, s31;
	v37 =	vmul.f32 v42, v29;
	v36 =	vld [tilespmem:s28+$0x4DD0]  }
0xd7: {  	v63 =	vld [tilespmem:s28+$0xDE0]  }
0xd8: {  	v41 =	vld [tilespmem:s28+$0x4DE0];
	_ =	sdelay $0x1  }
0xd9: {  	v32 =	vmul.f32 v32, v27  }
0xda: {  	v38 =	vadd.f32 v39, v38;
	v34 =	vmul.f32 v34, v25;
	v33 =	vmul.f32 v33, v26  }
0xdb: {  	[tilespmem:s28+$0x8D90] =	vst v40;
	v32 =	vadd.f32 v32, v37;
	v35 =	vmul.f32 v35, v22;
	v36 =	vmul.f32 v36, v23  }
0xdc: {  	[tilespmem:s28+$0x8DA0] =	vst v38;
	v33 =	vadd.f32 v33, v34;
	v43 =	vmul.f32 v63, v19;
	v44 =	vmul.f32 v41, v20  }
0xdd: {  	[tilespmem:s28+$0x8DB0] =	vst v32;
	v45 =	vadd.f32 v36, v35  }
0xde: {  	[tilespmem:s28+$0x8DC0] =	vst v33;
	v46 =	vadd.f32 v44, v43  }
0xdf: {  	[tilespmem:s28+$0x8DD0] =	vst v45  }
0xe0: {  	s0 =	simm.s32 $0x0;
	[tilespmem:s28+$0x8DE0] =	vst v46  }
0xe1: {  	[hbm4b:s10+s0] =	stream.linear.scatter [tilespmem:s21], [sflag:$0x3], $0x2000, $0x38;
	[tilespmem:$0xC900] =	vst v63  }
0xe2: {  	_ =	swait.ge [sflag:s22], $0x2000  }
0xe3: {  	[sflag:s22] =	ssyncset.done $0x0  }
0xe4: {  	[sflag:s22] =	ssyncadd.s32 $0xFFFFE000  }
0xe5: {  	_ =	swait.ge [sflag:s22], $0x2000  }
0xe6: {  	s2 =	sand.u32 $0x1800, s0;
	s0 =	sand.u32 $0x300, s0;
	[sflag:s22] =	ssyncset.done $0x0  }
0xe7: {  	s28 =	sor.u32 s0, s2;
	[sflag:s22] =	ssyncadd.s32 $0xFFFFE000  }
0xe8: {  	v47 =	vld [tilespmem:s28+$0x2900]  }
0xe9: {  	v48 =	vld [tilespmem:s28+$0x6900]  }
0xea: {  	v49 =	vld [tilespmem:s28+$0x2910]  }
0xeb: {  	v50 =	vld [tilespmem:s28+$0x6910]  }
0xec: {  	v51 =	vld [tilespmem:s28+$0x2920]  }
0xed: {  	v52 =	vld [tilespmem:s28+$0x6920]  }
0xee: {  	v53 =	vld [tilespmem:s28+$0x2930]  }
0xef: {  	v54 =	vld [tilespmem:s28+$0x6930]  }
0xf0: {  	v55 =	vld [tilespmem:s28+$0x2940]  }
0xf1: {  	v56 =	vld [tilespmem:s28+$0x6940]  }
0xf2: {  	v58 =	vld [tilespmem:s28+$0x2950]  }
0xf3: {  	v61 =	vld [tilespmem:s28+$0x6950]  }
0xf4: {  	v63 =	vld [tilespmem:s28+$0x2960]  }
0xf5: {  	v45 =	vld [tilespmem:s28+$0x6960]  }
0xf6: {  	v42 =	vld [tilespmem:s28+$0x6DF0]  }
0xf7: {  	v40 =	vld [tilespmem:s28+$0x6D20]  }
0xf8: {  	v32 =	vmul.f32 v47, v0;
	v47 =	vld [tilespmem:s28+$0x2970]  }
0xf9: {  	v34 =	vmul.f32 v49, v2;
	v49 =	vld [tilespmem:s28+$0x6970]  }
0xfa: {  	v35 =	vmul.f32 v50, v3;
	v50 =	vld [tilespmem:s28+$0x2DF0]  }
0xfb: {  	v33 =	vmul.f32 v48, v1;
	v60 =	vmul.f32 v52, v5;
	v52 =	vld [tilespmem:s28+$0x2D00]  }
0xfc: {  	v43 =	vmul.f32 v53, v6;
	v44 =	vmul.f32 v54, v7;
	v53 =	vld [tilespmem:s28+$0x6D00]  }
0xfd: {  	v37 =	vmul.f32 v61, v11;
	v61 =	vmul.f32 v42, v31;
	v42 =	vld [tilespmem:s28+$0x6D30]  }
0xfe: {  	v48 =	vmul.f32 v56, v9;
	v56 =	vmul.f32 v45, v13;
	v45 =	vld [tilespmem:s28+$0x6990]  }
0xff: {  	v32 =	vadd.f32 v33, v32;
	v33 =	vmul.f32 v55, v8;
	v55 =	vld [tilespmem:s28+$0x2D10]  }
0x100: {  	v46 =	vadd.f32 v44, v43;
	v43 =	vld [tilespmem:s28+$0x6980]  }
0x101: {  	v57 =	vadd.f32 v35, v34;
	v44 =	vld [tilespmem:s28+$0x2990]  }
0x102: {  	v59 =	vmul.f32 v51, v4;
	v35 =	vmul.f32 v63, v12;
	v63 =	vld [tilespmem:s28+$0x69B0]  }
0x103: {  	v34 =	vmul.f32 v58, v10;
	[tilespmem:s28+$0xA910] =	vst v57;
	v57 =	vld [tilespmem:s28+$0x6D10]  }
0x104: {  	v62 =	vadd.f32 v60, v59;
	v58 =	vadd.f32 v56, v35;
	v35 =	vld [tilespmem:s28+$0x2D20]  }
0x105: {  	v54 =	vadd.f32 v37, v34;
	v37 =	vld [tilespmem:s28+$0x2D30]  }
0x106: {  	[tilespmem:s28+$0xA920] =	vst v62;
	v62 =	vld [tilespmem:s28+$0x2980]  }
0x107: {  	[tilespmem:s28+$0xA930] =	vst v46;
	v46 =	vld [tilespmem:s28+$0x29A0]  }
0x108: {  	v51 =	vadd.f32 v48, v33;
	v48 =	vld [tilespmem:s28+$0x29B0]  }
0x109: {  	v36 =	vmul.f32 v47, v14;
	v47 =	vld [tilespmem:s28+$0x69A0]  }
0x10a: {  	v59 =	vmul.f32 v49, v15;
	v49 =	vld [tilespmem:s28+$0x2D50]  }
0x10b: {  	v60 =	vmul.f32 v50, v30;
	v50 =	vld [tilespmem:s28+$0x6D70]  }
0x10c: {  	v33 =	vmul.f32 v52, v16;
	[tilespmem:s28+$0xA950] =	vst v54;
	v54 =	vld [tilespmem:s28+$0x69C0]  }
0x10d: {  	v38 =	vmul.f32 v53, v17;
	v52 =	vmul.f32 v44, v2;
	v44 =	vld [tilespmem:s28+$0x29E0]  }
0x10e: {  	[tilespmem:s28+$0xA900] =	vst v32;
	v36 =	vadd.f32 v59, v36;
	v32 =	vadd.f32 v61, v60;
	v60 =	vld [tilespmem:s28+$0x69E0]  }
0x10f: {  	v33 =	vadd.f32 v38, v33;
	v38 =	vmul.f32 v63, v7;
	v63 =	vld [tilespmem:s28+$0x29F0]  }
0x110: {  	[tilespmem:s28+$0xA970] =	vst v36;
	v36 =	vld [tilespmem:s28+$0x2D40]  }
0x111: {  	v43 =	vmul.f32 v43, v1;
	[tilespmem:s28+$0xADF0] =	vst v32;
	v32 =	vld [tilespmem:s28+$0x6D40]  }
0x112: {  	v41 =	vmul.f32 v62, v0;
	v39 =	vmul.f32 v57, v21;
	v57 =	vld [tilespmem:s28+$0x69D0]  }
0x113: {  	v53 =	vmul.f32 v45, v3;
	[tilespmem:s28+$0xA940] =	vst v51;
	v59 =	vmul.f32 v48, v6;
	v48 =	vld [tilespmem:s28+$0x2D60]  }
0x114: {  	[tilespmem:s28+$0xA960] =	vst v58;
	v34 =	vmul.f32 v55, v18;
	v55 =	vmul.f32 v46, v4;
	v41 =	vadd.f32 v43, v41;
	v43 =	vld [tilespmem:s28+$0x29C0]  }
0x115: {  	[tilespmem:s28+$0xAD00] =	vst v33;
	v33 =	vadd.f32 v53, v52;
	v56 =	vmul.f32 v47, v5;
	v53 =	vmul.f32 v54, v9;
	v54 =	vld [tilespmem:s28+$0x69F0]  }
0x116: {  	v34 =	vadd.f32 v39, v34;
	[tilespmem:s28+$0xA980] =	vst v41;
	v41 =	vld [tilespmem:s28+$0x29D0]  }
0x117: {  	v61 =	vmul.f32 v35, v24;
	v62 =	vmul.f32 v40, v28;
	v35 =	vld [tilespmem:s28+$0x6D60];
	[tilespmem:s28+$0xA990] =	vst v33;
	v58 =	vadd.f32 v56, v55  }
0x118: {  	v39 =	vld [tilespmem:s28+$0x6D50];
	v60 =	vmul.f32 v60, v13;
	[tilespmem:s28+$0xAD10] =	vst v34;
	v34 =	vadd.f32 v38, v59;
	v59 =	vmul.f32 v44, v12  }
0x119: {  	v40 =	vld [tilespmem:s28+$0x2D80];
	v33 =	vadd.f32 v62, v61;
	[tilespmem:s28+$0xA9A0] =	vst v58;
	v52 =	vmul.f32 v43, v8  }
0x11a: {  	v38 =	vmul.f32 v63, v14;
	v58 =	vld [tilespmem:s28+$0x6D80];
	[tilespmem:s28+$0xA9B0] =	vst v34;
	v34 =	vadd.f32 v60, v59;
	v63 =	vmul.f32 v54, v15  }
0x11b: {  	v46 =	vld [tilespmem:s28+$0x6D90];
	[tilespmem:s28+$0xAD20] =	vst v33;
	v57 =	vmul.f32 v57, v11;
	v55 =	vadd.f32 v53, v52;
	v56 =	vmul.f32 v41, v10  }
0x11c: {  	v47 =	vld [tilespmem:s28+$0x2D70];
	v51 =	vmul.f32 v36, v25;
	v32 =	vmul.f32 v32, v26;
	[tilespmem:s28+$0xA9E0] =	vst v34;
	v38 =	vadd.f32 v63, v38  }
0x11d: {  	v41 =	vld [tilespmem:s28+$0x2D90];
	v52 =	vmul.f32 v49, v22;
	v53 =	vmul.f32 v39, v23;
	[tilespmem:s28+$0xA9C0] =	vst v55;
	v33 =	vadd.f32 v57, v56  }
0x11e: {  	v45 =	vld [tilespmem:s28+$0x6DA0];
	v61 =	vmul.f32 v37, v29;
	v62 =	vmul.f32 v42, v27;
	v55 =	vadd.f32 v32, v51;
	[tilespmem:s28+$0xA9F0] =	vst v38  }
0x11f: {  	v42 =	vld [tilespmem:s28+$0x2DA0];
	v56 =	vmul.f32 v40, v16;
	v57 =	vmul.f32 v58, v17;
	v36 =	vadd.f32 v53, v52;
	[tilespmem:s28+$0xA9D0] =	vst v33  }
0x120: {  	v35 =	vmul.f32 v35, v20;
	v54 =	vld [tilespmem:s28+$0x2DB0];
	v58 =	vmul.f32 v48, v19;
	v33 =	vadd.f32 v62, v61;
	[tilespmem:s28+$0xAD40] =	vst v55  }
0x121: {  	v59 =	vmul.f32 v47, v30;
	v60 =	vmul.f32 v50, v31;
	v32 =	vld [tilespmem:s28+$0x6DB0];
	v39 =	vadd.f32 v57, v56;
	[tilespmem:s28+$0xAD50] =	vst v36  }
0x122: {  	v34 =	vld [tilespmem:s28+$0x2DC0];
	v63 =	vmul.f32 v46, v21;
	v35 =	vadd.f32 v35, v58;
	v62 =	vmul.f32 v41, v18;
	[tilespmem:s28+$0xAD30] =	vst v33  }
0x123: {  	v61 =	vadd.f32 v60, v59;
	v33 =	vld [tilespmem:s28+$0x6DC0];
	[tilespmem:s28+$0xAD80] =	vst v39  }
0x124: {  	v38 =	vmul.f32 v42, v24;
	[tilespmem:s28+$0xAD60] =	vst v35;
	v35 =	vld [tilespmem:s28+$0x2DD0];
	v39 =	vmul.f32 v45, v28;
	v40 =	vadd.f32 v63, v62  }
0x125: {  	s29 =	simm.s32 $0x0;
	s30 =	simm.s32 $0x100;
	s31 =	simm.s32 $0x200;
	v37 =	vmul.f32 v54, v29;
	v36 =	vld [tilespmem:s28+$0x6DD0];
	[tilespmem:s28+$0xAD70] =	vst v61  }
.LBB2_4:
0x126: {  	s0 =	sand.u32 $0x1800, s31;
	s2 =	sand.u32 $0x300, s30;
	[tilespmem:s28+$0xAD90] =	vst v40;
	v38 =	vadd.f32 v39, v38;
	v32 =	vmul.f32 v32, v27;
	v39 =	vld [tilespmem:s28+$0x2DE0]  }
0x127: {  	s29 =	sadd.s32 $0x2, s29;
	s0 =	sor.u32 s2, s0;
	v34 =	vmul.f32 v34, v25;
	v40 =	vld [tilespmem:s28+$0x6DE0]  }
0x128: {  	p0 =	slt.u32 s29, $0x1E;
	v41 =	vld [tilespmem:s0+$0x2DF0];
	[tilespmem:s28+$0xADA0] =	vst v38;
	v32 =	vadd.f32 v32, v37;
	v33 =	vmul.f32 v33, v26  }
0x129: {  	v37 =	vld [tilespmem:s0+$0x6DF0];
	v35 =	vmul.f32 v35, v22  }
0x12a: {  	v38 =	vld [tilespmem:s0+$0x2900];
	[tilespmem:s28+$0xADB0] =	vst v32;
	v32 =	vadd.f32 v33, v34;
	v33 =	vmul.f32 v36, v23  }
0x12b: {  	v34 =	vld [tilespmem:s0+$0x6900];
	v36 =	vmul.f32 v39, v19  }
0x12c: {  	v39 =	vld [tilespmem:s0+$0x2910];
	[tilespmem:s28+$0xADC0] =	vst v32;
	v32 =	vadd.f32 v33, v35;
	v33 =	vmul.f32 v40, v20  }
0x12d: {  	v35 =	vld [tilespmem:s0+$0x6910]  }
0x12e: {  	v41 =	vmul.f32 v41, v30;
	v40 =	vld [tilespmem:s0+$0x2920];
	v37 =	vmul.f32 v37, v31;
	[tilespmem:s28+$0xADD0] =	vst v32;
	v32 =	vadd.f32 v33, v36  }
0x12f: {  	v33 =	vmul.f32 v38, v0;
	v36 =	vld [tilespmem:s0+$0x6920]  }
0x130: {  	v34 =	vmul.f32 v34, v1;
	v38 =	vld [tilespmem:s0+$0x2930];
	v37 =	vadd.f32 v37, v41;
	[tilespmem:s28+$0xADE0] =	vst v32;
	s28 =	smov.u32 s0  }
0x131: {  	v32 =	vmul.f32 v39, v2;
	v39 =	vld [tilespmem:s28+$0x6930]  }
0x132: {  	v33 =	vadd.f32 v34, v33;
	v34 =	vmul.f32 v35, v3;
	v35 =	vld [tilespmem:s28+$0x2940];
	[tilespmem:s28+$0xADF0] =	vst v37  }
0x133: {  	v37 =	vmul.f32 v40, v4;
	v40 =	vld [tilespmem:s28+$0x6940]  }
0x134: {  	[tilespmem:s28+$0xA900] =	vst v33;
	v32 =	vadd.f32 v34, v32;
	v33 =	vmul.f32 v36, v5;
	v34 =	vld [tilespmem:s28+$0x2950]  }
0x135: {  	v36 =	vmul.f32 v38, v6;
	v38 =	vld [tilespmem:s28+$0x6950]  }
0x136: {  	[tilespmem:s28+$0xA910] =	vst v32;
	v32 =	vadd.f32 v33, v37;
	v33 =	vmul.f32 v39, v7;
	v37 =	vld [tilespmem:s28+$0x2960]  }
0x137: {  	v35 =	vmul.f32 v35, v8;
	v39 =	vld [tilespmem:s28+$0x6960]  }
0x138: {  	[tilespmem:s28+$0xA920] =	vst v32;
	v32 =	vadd.f32 v33, v36;
	v33 =	vmul.f32 v40, v9;
	v36 =	vld [tilespmem:s28+$0x2970]  }
0x139: {  	v34 =	vmul.f32 v34, v10;
	v40 =	vld [tilespmem:s28+$0x6970]  }
0x13a: {  	[tilespmem:s28+$0xA930] =	vst v32;
	v32 =	vadd.f32 v33, v35;
	v33 =	vmul.f32 v38, v11;
	v35 =	vld [tilespmem:s28+$0x2D00]  }
0x13b: {  	v37 =	vmul.f32 v37, v12;
	v38 =	vld [tilespmem:s28+$0x6D00]  }
0x13c: {  	[tilespmem:s28+$0xA940] =	vst v32;
	v32 =	vadd.f32 v33, v34;
	v33 =	vmul.f32 v39, v13;
	v34 =	vld [tilespmem:s28+$0x2D10]  }
0x13d: {  	v36 =	vmul.f32 v36, v14;
	v39 =	vld [tilespmem:s28+$0x6D10]  }
0x13e: {  	[tilespmem:s28+$0xA950] =	vst v32;
	v32 =	vadd.f32 v33, v37;
	v33 =	vmul.f32 v40, v15;
	v37 =	vld [tilespmem:s28+$0x2D20]  }
0x13f: {  	v35 =	vmul.f32 v35, v16;
	v40 =	vld [tilespmem:s28+$0x6D20]  }
0x140: {  	[tilespmem:s28+$0xA960] =	vst v32;
	v32 =	vadd.f32 v33, v36;
	v33 =	vmul.f32 v38, v17;
	v36 =	vld [tilespmem:s28+$0x2D30]  }
0x141: {  	v34 =	vmul.f32 v34, v18;
	v38 =	vld [tilespmem:s28+$0x6D30]  }
0x142: {  	[tilespmem:s28+$0xA970] =	vst v32;
	v32 =	vadd.f32 v33, v35;
	v33 =	vmul.f32 v39, v21;
	v35 =	vld [tilespmem:s28+$0x2D40]  }
0x143: {  	v37 =	vmul.f32 v37, v24;
	v39 =	vld [tilespmem:s28+$0x6D40]  }
0x144: {  	[tilespmem:s28+$0xAD00] =	vst v32;
	v32 =	vadd.f32 v33, v34;
	v33 =	vmul.f32 v40, v28;
	v34 =	vld [tilespmem:s28+$0x2D50]  }
0x145: {  	v36 =	vmul.f32 v36, v29;
	v40 =	vld [tilespmem:s28+$0x6D50]  }
0x146: {  	[tilespmem:s28+$0xAD10] =	vst v32;
	v32 =	vadd.f32 v33, v37;
	v33 =	vmul.f32 v38, v27;
	v37 =	vld [tilespmem:s28+$0x2D60]  }
0x147: {  	v35 =	vmul.f32 v35, v25;
	v38 =	vld [tilespmem:s28+$0x6D60]  }
0x148: {  	[tilespmem:s28+$0xAD20] =	vst v32;
	v32 =	vadd.f32 v33, v36;
	v33 =	vmul.f32 v39, v26;
	v36 =	vld [tilespmem:s28+$0x2D70]  }
0x149: {  	v34 =	vmul.f32 v34, v22;
	v39 =	vld [tilespmem:s28+$0x6D70]  }
0x14a: {  	[tilespmem:s28+$0xAD30] =	vst v32;
	v32 =	vadd.f32 v33, v35;
	v33 =	vmul.f32 v40, v23;
	v35 =	vld [tilespmem:s28+$0x2980]  }
0x14b: {  	v37 =	vmul.f32 v37, v19;
	v40 =	vld [tilespmem:s28+$0x6980]  }
0x14c: {  	[tilespmem:s28+$0xAD40] =	vst v32;
	v32 =	vadd.f32 v33, v34;
	v33 =	vmul.f32 v38, v20;
	v34 =	vld [tilespmem:s28+$0x2990]  }
0x14d: {  	v36 =	vmul.f32 v36, v30;
	v38 =	vld [tilespmem:s28+$0x6990]  }
0x14e: {  	[tilespmem:s28+$0xAD50] =	vst v32;
	v32 =	vadd.f32 v33, v37;
	v33 =	vmul.f32 v39, v31;
	v37 =	vld [tilespmem:s28+$0x29A0]  }
0x14f: {  	v35 =	vmul.f32 v35, v0;
	v39 =	vld [tilespmem:s28+$0x69A0]  }
0x150: {  	[tilespmem:s28+$0xAD60] =	vst v32;
	v32 =	vadd.f32 v33, v36;
	v33 =	vmul.f32 v40, v1;
	v36 =	vld [tilespmem:s28+$0x29B0]  }
0x151: {  	v34 =	vmul.f32 v34, v2;
	v40 =	vld [tilespmem:s28+$0x69B0]  }
0x152: {  	[tilespmem:s28+$0xAD70] =	vst v32;
	v32 =	vadd.f32 v33, v35;
	v33 =	vmul.f32 v38, v3;
	v35 =	vld [tilespmem:s28+$0x29C0]  }
0x153: {  	v37 =	vmul.f32 v37, v4;
	v38 =	vld [tilespmem:s28+$0x69C0]  }
0x154: {  	[tilespmem:s28+$0xA980] =	vst v32;
	v32 =	vadd.f32 v33, v34;
	v33 =	vmul.f32 v39, v5;
	v34 =	vld [tilespmem:s28+$0x29D0]  }
0x155: {  	v36 =	vmul.f32 v36, v6;
	v39 =	vld [tilespmem:s28+$0x69D0]  }
0x156: {  	[tilespmem:s28+$0xA990] =	vst v32;
	v32 =	vadd.f32 v33, v37;
	v33 =	vmul.f32 v40, v7;
	v37 =	vld [tilespmem:s28+$0x29E0]  }
0x157: {  	v35 =	vmul.f32 v35, v8;
	v40 =	vld [tilespmem:s28+$0x69E0]  }
0x158: {  	[tilespmem:s28+$0xA9A0] =	vst v32;
	v32 =	vadd.f32 v33, v36;
	v33 =	vmul.f32 v38, v9;
	v36 =	vld [tilespmem:s28+$0x29F0]  }
0x159: {  	v34 =	vmul.f32 v34, v10;
	v38 =	vld [tilespmem:s28+$0x69F0]  }
0x15a: {  	[tilespmem:s28+$0xA9B0] =	vst v32;
	v32 =	vadd.f32 v33, v35;
	v33 =	vmul.f32 v39, v11;
	v35 =	vld [tilespmem:s28+$0x2D80]  }
0x15b: {  	v37 =	vmul.f32 v37, v12;
	v39 =	vld [tilespmem:s28+$0x6D80]  }
0x15c: {  	[tilespmem:s28+$0xA9C0] =	vst v32;
	v32 =	vadd.f32 v33, v34;
	v33 =	vmul.f32 v40, v13;
	v34 =	vld [tilespmem:s28+$0x2D90]  }
0x15d: {  	v36 =	vmul.f32 v36, v14;
	v40 =	vld [tilespmem:s28+$0x6D90]  }
0x15e: {  	[tilespmem:s28+$0xA9D0] =	vst v32;
	v32 =	vadd.f32 v33, v37;
	v33 =	vmul.f32 v38, v15;
	v37 =	vld [tilespmem:s28+$0x2DA0]  }
0x15f: {  	v35 =	vmul.f32 v35, v16;
	v41 =	vld [tilespmem:s28+$0x6DA0]  }
0x160: {  	[tilespmem:s28+$0xA9E0] =	vst v32;
	v33 =	vadd.f32 v33, v36;
	v36 =	vmul.f32 v39, v17;
	v42 =	vld [tilespmem:s28+$0x2DB0]  }
.Ltmp1:
0x161: {  	v39 =	vmul.f32 v34, v18;
	v32 =	vld [tilespmem:s28+$0x6DB0];
	(pc) =	sbr.rel @p0 .LBB2_4-.Ltmp1, $4  }
0x162: {  	[tilespmem:s28+$0xA9F0] =	vst v33;
	v35 =	vadd.f32 v36, v35;
	v36 =	vmul.f32 v40, v21;
	v34 =	vld [tilespmem:s28+$0x2DC0]  }
0x163: {  	v38 =	vmul.f32 v37, v24;
	v33 =	vld [tilespmem:s28+$0x6DC0]  }
0x164: {  	[tilespmem:s28+$0xAD80] =	vst v35;
	v40 =	vadd.f32 v36, v39;
	v39 =	vmul.f32 v41, v28;
	v35 =	vld [tilespmem:s28+$0x2DD0]  }
0x165: {  	s30 =	sadd.s32 $0x100, s30;
	s31 =	sadd.s32 $0x200, s31;
	v37 =	vmul.f32 v42, v29;
	v36 =	vld [tilespmem:s28+$0x6DD0]  }
0x166: {  	v0 =	vld [tilespmem:s28+$0x2DE0]  }
0x167: {  	v1 =	vld [tilespmem:s28+$0x6DE0];
	_ =	sdelay $0x1  }
0x168: {  	v2 =	vmul.f32 v32, v27  }
0x169: {  	v3 =	vadd.f32 v39, v38;
	v4 =	vmul.f32 v34, v25;
	v5 =	vmul.f32 v33, v26  }
0x16a: {  	[tilespmem:s28+$0xAD90] =	vst v40;
	v2 =	vadd.f32 v2, v37;
	v6 =	vmul.f32 v35, v22;
	v7 =	vmul.f32 v36, v23  }
0x16b: {  	[tilespmem:s28+$0xADA0] =	vst v3;
	v62 =	vadd.f32 v5, v4;
	v0 =	vmul.f32 v0, v19;
	v1 =	vmul.f32 v1, v20  }
0x16c: {  	[tilespmem:s28+$0xADB0] =	vst v2;
	v63 =	vadd.f32 v7, v6  }
0x16d: {  	[tilespmem:s28+$0xADC0] =	vst v62;
	v0 =	vadd.f32 v1, v0  }
0x16e: {  	[tilespmem:s28+$0xADD0] =	vst v63  }
0x16f: {  	s26 =	sadd.s32 $0x1, s26;
	[tilespmem:s28+$0xADE0] =	vst v0  }
0x170: {  	[hbm4b:s11+s3] =	stream.linear.scatter [tilespmem:s23], [sflag:$0x4], $0x2000, $0x38;
	[tilespmem:$0xC900] =	vst v63  }
0x171: {  	p0 =	sne.s32 s26, s12;
	_ =	swait.ge [sflag:s24], $0x2000  }
.Ltmp2:
0x172: {  	[sflag:s24] =	ssyncset.done $0x0;
	(pc) =	sbr.rel @p0 .LBB2_1-.Ltmp2, $4  }
0x173: {  	[sflag:s24] =	ssyncadd.s32 $0xFFFFE000  }
0x174: {  	_ =	swait.ge [sflag:s25], $0x2000  }
0x175: {  	[sflag:s25] =	ssyncset.done $0x0  }
0x176: {  	[sflag:s25] =	ssyncadd.s32 $0xFFFFE000  }
0x177: {  	_ =	sfence.sel $0x180000  }
0x178: {  	[bflag:$0x0] =	sbarrier.arrive $0xFFFF  }
0x179: {  	_ =	strace $0x90000047  }
0x17a: {  	s0 =	stileid.u32;
	[bflag:$0x2] =	sbarrier.arrive $0xFFFF  }
0x17b: {  	p0 =	sne.s32 s0, $0x0;
	s0 =	rddreg [dreg:$0x4]  }
0x17c: {  	s0 =	sadd.s32 @!p0 $0x100000, s0  }
0x17d: {  	[sflag:s0] =	ssyncadd.tile.s32 @!p0 $0x1;
	_ =	shalt  }
.Lfunc_end2:
_tile_overlayer_lowered:
.L_overlay_start_2:
0x17e: {  	(tag) =	ssettag $0x2  }
0x17f: {  	s0 =	rddreg [dreg:$0x0];
	s2 =	stileid.u32  }
0x180: {  	s1 =	rddreg [dreg:$0x1];
	p0 =	sne.s32 s2, $0x0  }
0x181: {  	s3 =	rddreg [dreg:$0x2];
	[bflag:$0x3] =	sbarrier.arrive $0xFFFF;
	s2 =	simm.s32 @!p0 $0x1C05  }
0x182: {  	[timem:s3], [sflag:s2] =	dma.local @!p0 [hbm:s0], s1  }
0x183: {  	s0 =	simm.s32 @!p0 $0x5  }
0x184: {  	_ =	swait.ge @!p0 [sflag:s0], s1  }
0x185: {  	s1 =	ssub.s32 @!p0 $0x0, s1;
	[sflag:s0] =	ssyncset.done @!p0 $0x0  }
0x186: {  	[sflag:s0] =	ssyncadd.s32 @!p0 s1  }
0x187: {  	[bflag:$0x3] =	sbarrier.arrive $0xFFFF  }
0x188: {  	_ =	shalt  }

</sc_bundles>
